<compile_context>
chip_gen: v7x
topology: tpu7x:2x2x1
jax: 0.10.2.dev20260603
libtpu: 0.0.44.dev20260713+nightly
codegen_flags: <defaults>
</compile_context>

<pallas_src>
import functools

import jax
import jax.numpy as jnp
from jax import lax
from jax.experimental import pallas as pl
from jax.experimental.pallas import tpu as pltpu
from jax.experimental.pallas import tpu_sc as plsc

_NC = 2
_NS = 16
_NW = _NC * _NS
_CH = 256
_CG = 128
_NBUF = 4
_DP = 128


_TBLK = 32768


def _prep_table_tc(tok_t, eye):
    D, V = tok_t.shape
    grid = (V + _TBLK - 1) // _TBLK

    def body(in_ref, eye_ref, out_ref):
        out_ref[:, :D] = jax.lax.dot_general(
            in_ref[...],
            eye_ref[...],
            (((0,), (0,)), ((), ())),
            preferred_element_type=jnp.float32,
        )

    return pl.pallas_call(
        body,
        grid=(grid,),
        in_specs=[
            pl.BlockSpec((D, _TBLK), lambda j: (0, j)),
            pl.BlockSpec((D, D), lambda j: (0, 0)),
        ],
        out_specs=pl.BlockSpec((_TBLK, _DP), lambda j: (j, 0)),
        out_shape=jax.ShapeDtypeStruct((V, _DP), jnp.float32),
        compiler_params=pltpu.CompilerParams(fuse_transposed_lhs_in_matmul=True),
    )(tok_t, eye)


def _pe_table(max_len, d_embed):
    pos = jnp.arange(max_len, dtype=jnp.float32)[:, None]
    i = jnp.arange(0, d_embed, 2, dtype=jnp.float32)[None, :]
    angle = pos / jnp.power(10000.0, i / d_embed)
    pe = jnp.zeros((max_len, d_embed), dtype=jnp.float32)
    pe = pe.at[:, 0::2].set(jnp.sin(angle))
    pe = pe.at[:, 1::2].set(jnp.cos(angle))
    return pe


@functools.partial(jax.jit, static_argnums=(3, 4, 5))
def _emb_call(tok_lin, idx, pe_ext, N, D, S):
    n_per_w = N // _NW
    n_chunks = n_per_w // _CH
    assert n_chunks % _NBUF == 0
    pe_rows = pe_ext.shape[0]
    mesh = plsc.VectorSubcoreMesh(core_axis_name="c", subcore_axis_name="s")

    @functools.partial(
        pl.kernel,
        out_type=jax.ShapeDtypeStruct((N, _DP), jnp.float32),
        mesh=mesh,
        scratch_types=[
            pltpu.VMEM((n_per_w,), jnp.int32),
            [pltpu.VMEM((_CH, D), jnp.float32)] * _NBUF,
            pltpu.VMEM((pe_rows, D), jnp.float32),
            [pltpu.SemaphoreType.DMA] * _NBUF,
            [pltpu.SemaphoreType.DMA] * _NBUF,
        ],
        compiler_params=pltpu.CompilerParams(use_tc_tiling_on_sc=False),
    )
    def emb(tok_hbm, idx_hbm, pe_hbm, out_hbm, idx_v, bufs, pe_v, gsems, ssems):
        wid = lax.axis_index("s") * _NC + lax.axis_index("c")
        base = wid * n_per_w
        pltpu.sync_copy(idx_hbm.at[pl.ds(base, n_per_w)], idx_v)
        pltpu.sync_copy(pe_hbm, pe_v)

        def fire_gather(g, bi):
            for h in range(_CH // _CG):
                pltpu.async_copy(
                    tok_hbm.at[idx_v.at[pl.ds(g * _CH + h * _CG, _CG)]],
                    bufs[bi].at[pl.ds(h * _CG, _CG)],
                    gsems[bi],
                )

        def wait_gather(bi):
            for h in range(_CH // _CG):
                pltpu.make_async_copy(
                    tok_hbm.at[idx_v.at[pl.ds(0, _CG)]],
                    bufs[bi].at[pl.ds(h * _CG, _CG)],
                    gsems[bi],
                ).wait()

        def wait_store(bi):
            pltpu.make_async_copy(
                bufs[bi], out_hbm.at[pl.ds(0, _CH), pl.ds(0, D)], ssems[bi]
            ).wait()

        fire_gather(0, 0)
        fire_gather(1, 1)

        def process(g, bi):
            wait_gather(bi)
            start = lax.rem(base + g * _CH, S)
            buf = bufs[bi]

            @plsc.parallel_loop(0, _CH, 1, unroll=8)
            def radd(r):
                p = start + r
                for k in range(D // 16):
                    sl = pl.ds(k * 16, 16)
                    buf[r, sl] = buf[r, sl] + pe_v[p, sl]

            pltpu.async_copy(
                buf,
                out_hbm.at[pl.ds(base + g * _CH, _CH), pl.ds(0, D)],
                ssems[bi],
            )

            nb = (bi + 2) % _NBUF

            @pl.when(g >= 2)
            def _():
                wait_store(nb)

            @pl.when(g + 2 < n_chunks)
            def _():
                fire_gather(g + 2, nb)

        def group(t, _):
            for b in range(_NBUF):
                process(t * _NBUF + b, b)
            return 0

        lax.fori_loop(0, n_chunks // _NBUF, group, 0)
        wait_store(_NBUF - 2)
        wait_store(_NBUF - 1)

    return emb(tok_lin, idx, pe_ext)


def kernel(x, tok_table):
    B, S = x.shape
    V, D = tok_table.shape
    N = B * S
    idx = x.reshape(N).astype(jnp.int32) * 2
    pe = _pe_table(S, D)
    reps = -(-(S + _CH) // S)
    pe_ext = jnp.tile(pe, (reps, 1))[: S + _CH]
    tok_pad = _prep_table_tc(tok_table.T, jnp.eye(D, dtype=jnp.float32))
    tok_lin = tok_pad.reshape(V * 2, D)
    out = _emb_call(tok_lin, idx, pe_ext, N, D, S)
    return out.reshape(B, S, _DP)[:, :, :D]

# --- scband reference (transcript-rebuilt; emitter-appended) ---
"""Pipeline reference for scband-embedding-90898687853180 (READ-ONLY COPY).

The authoritative reference and input builder live on the scoring server;
editing this copy changes nothing except your own understanding.
"""

import jax, jax.numpy as jnp
import numpy as np

VOCAB = 1000000
D_EMBED = 64
MAX_LEN = 256
BATCH = 4096
SEQ = 200


def _sinusoidal_pe(max_len, d_embed):
    pos = jnp.arange(max_len, dtype=jnp.float32)[:, None]
    i = jnp.arange(0, d_embed, 2, dtype=jnp.float32)[None, :]
    angle = pos / jnp.power(10000.0, i / d_embed)
    pe = jnp.zeros((max_len, d_embed), dtype=jnp.float32)
    pe = pe.at[:, 0::2].set(jnp.sin(angle))
    pe = pe.at[:, 1::2].set(jnp.cos(angle))
    return pe


def setup_inputs(seed: int = 0) -> dict:
    key = jax.random.key(seed)
    k1, k2 = jax.random.split(key)
    x = jax.random.randint(k1, (BATCH, SEQ), 0, VOCAB, dtype=jnp.int64 if jax.config.jax_enable_x64 else jnp.int32)
    tok_table = jax.random.normal(k2, (VOCAB, D_EMBED), dtype=jnp.float32)
    return {"x": x, "tok_table": tok_table}


def reference(x, tok_table):
    # TokenEmbedding: plain embedding lookup
    out = jnp.take(tok_table, x, axis=0)  # [B, S, D]
    # PositionalEncoding: add (non-learned) sinusoidal encoding for first seq_len positions
    seq_len = x.shape[1]
    pe = _sinusoidal_pe(MAX_LEN, D_EMBED)[:seq_len]  # [S, D]
    return out + pe[None, :, :]

if __name__ == "__main__":
    import jax
    _d = setup_inputs()
    print(jax.jit(kernel)(*tuple(_d.values())))

</pallas_src>

<mosaic_0001>
#map = affine_map<(d0, d1) -> (0, 0)>
#map1 = affine_map<(d0, d1) -> (0)>
module attributes {stable_mosaic.version = 14 : i64} {
  func.func @emb(%arg0: i32, %arg1: i32, %arg2: memref<2000000x64xf32, #tpu.memory_space<hbm>>, %arg3: memref<819200xi32, #tpu.memory_space<hbm>>, %arg4: memref<456x64xf32, #tpu.memory_space<hbm>>, %arg5: memref<819200x128xf32, #tpu.memory_space<hbm>>, %arg6: memref<25600xi32, #tpu.memory_space<vmem>>, %arg7: memref<256x64xf32, #tpu.memory_space<vmem>>, %arg8: memref<256x64xf32, #tpu.memory_space<vmem>>, %arg9: memref<256x64xf32, #tpu.memory_space<vmem>>, %arg10: memref<256x64xf32, #tpu.memory_space<vmem>>, %arg11: memref<456x64xf32, #tpu.memory_space<vmem>>, %arg12: memref<!tpu.dma_semaphore, #tpu.memory_space<semaphore_mem>>, %arg13: memref<!tpu.dma_semaphore, #tpu.memory_space<semaphore_mem>>, %arg14: memref<!tpu.dma_semaphore, #tpu.memory_space<semaphore_mem>>, %arg15: memref<!tpu.dma_semaphore, #tpu.memory_space<semaphore_mem>>, %arg16: memref<!tpu.dma_semaphore, #tpu.memory_space<semaphore_mem>>, %arg17: memref<!tpu.dma_semaphore, #tpu.memory_space<semaphore_mem>>, %arg18: memref<!tpu.dma_semaphore, #tpu.memory_space<semaphore_mem>>, %arg19: memref<!tpu.dma_semaphore, #tpu.memory_space<semaphore_mem>>) attributes {dimension_semantics = [#tpu.dimension_semantics<core_parallel>, #tpu.dimension_semantics<subcore_parallel>], iteration_bounds = array<i64: 2, 16>, scalar_prefetch = 0 : i64, scratch_operands = 14 : i64, tpu.core_type = #tpu.core_type<sc_vector_subcore>, window_params = [{transform_indices = #map}, {transform_indices = #map1}, {transform_indices = #map}, {transform_indices = #map}]} {
    %mul3A = arith.constant 2 : i32
    %mul3A_0 = arith.muli %arg1, %mul3A : i32
    %add3A = arith.addi %mul3A_0, %arg0 : i32
    %mul3A_1 = arith.constant 25600 : i32
    %mul3A_2 = arith.muli %add3A, %mul3A_1 : i32
    "tpu.region"() ({
      %run_scoped3A = tpu.sem_alloc : memref<!tpu.dma_semaphore, #tpu.memory_space<semaphore_mem>>
      %dma_start3A_51 = tpu.memref_slice %arg3[%mul3A_2] : memref<819200xi32, #tpu.memory_space<hbm>> -> memref<25600xi32, #tpu.memory_space<hbm>>
      %dma_start3A_52 = tpu.memref_slice %arg3[%mul3A_2] : memref<819200xi32, #tpu.memory_space<hbm>> -> memref<25600xi32, #tpu.memory_space<hbm>>
      tpu.enqueue_dma source(%dma_start3A_52 : memref<25600xi32, #tpu.memory_space<hbm>>) target(%arg6 : memref<25600xi32, #tpu.memory_space<vmem>>) target_semaphore(%run_scoped3A : memref<!tpu.dma_semaphore, #tpu.memory_space<semaphore_mem>>)
      %dma_wait3A_53 = tpu.memref_slice %arg3[%mul3A_2] : memref<819200xi32, #tpu.memory_space<hbm>> -> memref<25600xi32, #tpu.memory_space<hbm>>
      %dma_wait3A_54 = tpu.memref_slice %arg3[%mul3A_2] : memref<819200xi32, #tpu.memory_space<hbm>> -> memref<25600xi32, #tpu.memory_space<hbm>>
      tpu.wait_dma2 semaphore(%run_scoped3A : memref<!tpu.dma_semaphore, #tpu.memory_space<semaphore_mem>>) src(%dma_wait3A_54 : memref<25600xi32, #tpu.memory_space<hbm>>) dst(%arg6 : memref<25600xi32, #tpu.memory_space<vmem>>)
      tpu.yield
    }) : () -> ()
    "tpu.region"() ({
      %run_scoped3A = tpu.sem_alloc : memref<!tpu.dma_semaphore, #tpu.memory_space<semaphore_mem>>
      tpu.enqueue_dma source(%arg4 : memref<456x64xf32, #tpu.memory_space<hbm>>) target(%arg11 : memref<456x64xf32, #tpu.memory_space<vmem>>) target_semaphore(%run_scoped3A : memref<!tpu.dma_semaphore, #tpu.memory_space<semaphore_mem>>)
      tpu.wait_dma2 semaphore(%run_scoped3A : memref<!tpu.dma_semaphore, #tpu.memory_space<semaphore_mem>>) src(%arg4 : memref<456x64xf32, #tpu.memory_space<hbm>>) dst(%arg11 : memref<456x64xf32, #tpu.memory_space<vmem>>)
      tpu.yield
    }) : () -> ()
    %dma_start3A = arith.constant 0 : i32
    %dma_start3A_3 = arith.constant 0 : i32
    %dma_start3A_4 = tpu.memref_slice %arg7[%dma_start3A, %dma_start3A_3] : memref<256x64xf32, #tpu.memory_space<vmem>> -> memref<128x64xf32, #tpu.memory_space<vmem>>
    %dma_start3A_5 = arith.constant 0 : i32
    %dma_start3A_6 = tpu.memref_slice %arg6[%dma_start3A_5] : memref<25600xi32, #tpu.memory_space<vmem>> -> memref<128xi32, #tpu.memory_space<vmem>>
    %dma_start3A_7 = arith.constant 0 : i32
    %dma_start3A_8 = arith.constant 0 : i32
    %dma_start3A_9 = tpu.memref_slice %arg2[%dma_start3A_7, %dma_start3A_8] : memref<2000000x64xf32, #tpu.memory_space<hbm>> -> memref<2000000x64xf32, #tpu.memory_space<hbm>>
    tpu.enqueue_indirect_dma source(%dma_start3A_9 : memref<2000000x64xf32, #tpu.memory_space<hbm>>) target(%dma_start3A_4 : memref<128x64xf32, #tpu.memory_space<vmem>>) offsets(%dma_start3A_6 : memref<128xi32, #tpu.memory_space<vmem>>) semaphore(%arg12 : memref<!tpu.dma_semaphore, #tpu.memory_space<semaphore_mem>>)
    %dma_start3A_10 = arith.constant 128 : i32
    %dma_start3A_11 = arith.constant 0 : i32
    %dma_start3A_12 = tpu.memref_slice %arg7[%dma_start3A_10, %dma_start3A_11] : memref<256x64xf32, #tpu.memory_space<vmem>> -> memref<128x64xf32, #tpu.memory_space<vmem>>
    %dma_start3A_13 = arith.constant 128 : i32
    %dma_start3A_14 = tpu.memref_slice %arg6[%dma_start3A_13] : memref<25600xi32, #tpu.memory_space<vmem>> -> memref<128xi32, #tpu.memory_space<vmem>>
    %dma_start3A_15 = arith.constant 0 : i32
    %dma_start3A_16 = arith.constant 0 : i32
    %dma_start3A_17 = tpu.memref_slice %arg2[%dma_start3A_15, %dma_start3A_16] : memref<2000000x64xf32, #tpu.memory_space<hbm>> -> memref<2000000x64xf32, #tpu.memory_space<hbm>>
    tpu.enqueue_indirect_dma source(%dma_start3A_17 : memref<2000000x64xf32, #tpu.memory_space<hbm>>) target(%dma_start3A_12 : memref<128x64xf32, #tpu.memory_space<vmem>>) offsets(%dma_start3A_14 : memref<128xi32, #tpu.memory_space<vmem>>) semaphore(%arg12 : memref<!tpu.dma_semaphore, #tpu.memory_space<semaphore_mem>>)
    %dma_start3A_18 = arith.constant 0 : i32
    %dma_start3A_19 = arith.constant 0 : i32
    %dma_start3A_20 = tpu.memref_slice %arg8[%dma_start3A_18, %dma_start3A_19] : memref<256x64xf32, #tpu.memory_space<vmem>> -> memref<128x64xf32, #tpu.memory_space<vmem>>
    %dma_start3A_21 = arith.constant 256 : i32
    %dma_start3A_22 = tpu.memref_slice %arg6[%dma_start3A_21] : memref<25600xi32, #tpu.memory_space<vmem>> -> memref<128xi32, #tpu.memory_space<vmem>>
    %dma_start3A_23 = arith.constant 0 : i32
    %dma_start3A_24 = arith.constant 0 : i32
    %dma_start3A_25 = tpu.memref_slice %arg2[%dma_start3A_23, %dma_start3A_24] : memref<2000000x64xf32, #tpu.memory_space<hbm>> -> memref<2000000x64xf32, #tpu.memory_space<hbm>>
    tpu.enqueue_indirect_dma source(%dma_start3A_25 : memref<2000000x64xf32, #tpu.memory_space<hbm>>) target(%dma_start3A_20 : memref<128x64xf32, #tpu.memory_space<vmem>>) offsets(%dma_start3A_22 : memref<128xi32, #tpu.memory_space<vmem>>) semaphore(%arg13 : memref<!tpu.dma_semaphore, #tpu.memory_space<semaphore_mem>>)
    %dma_start3A_26 = arith.constant 128 : i32
    %dma_start3A_27 = arith.constant 0 : i32
    %dma_start3A_28 = tpu.memref_slice %arg8[%dma_start3A_26, %dma_start3A_27] : memref<256x64xf32, #tpu.memory_space<vmem>> -> memref<128x64xf32, #tpu.memory_space<vmem>>
    %dma_start3A_29 = arith.constant 384 : i32
    %dma_start3A_30 = tpu.memref_slice %arg6[%dma_start3A_29] : memref<25600xi32, #tpu.memory_space<vmem>> -> memref<128xi32, #tpu.memory_space<vmem>>
    %dma_start3A_31 = arith.constant 0 : i32
    %dma_start3A_32 = arith.constant 0 : i32
    %dma_start3A_33 = tpu.memref_slice %arg2[%dma_start3A_31, %dma_start3A_32] : memref<2000000x64xf32, #tpu.memory_space<hbm>> -> memref<2000000x64xf32, #tpu.memory_space<hbm>>
    tpu.enqueue_indirect_dma source(%dma_start3A_33 : memref<2000000x64xf32, #tpu.memory_space<hbm>>) target(%dma_start3A_28 : memref<128x64xf32, #tpu.memory_space<vmem>>) offsets(%dma_start3A_30 : memref<128xi32, #tpu.memory_space<vmem>>) semaphore(%arg13 : memref<!tpu.dma_semaphore, #tpu.memory_space<semaphore_mem>>)
    %scan3A = arith.constant 0 : i32
    %scan3A_34 = arith.constant 0 : i32
    %scan3A_35 = arith.constant 25 : i32
    %scan3A_36 = arith.addi %scan3A_34, %scan3A_35 : i32
    %scan3A_37 = arith.constant 1 : i32
    %scan3A_38 = scf.for %scan3A_51 = %scan3A_34 to %scan3A_36 step %scan3A_37 iter_args(%scan3A_52 = %scan3A) -> (i32)  : i32 {
      %mul3A_53 = arith.constant 4 : i32
      %mul3A_54 = arith.muli %scan3A_51, %mul3A_53 : i32
      %add3A_55 = arith.constant 0 : i32
      %add3A_56 = arith.addi %mul3A_54, %add3A_55 : i32
      %dma_wait3A_57 = arith.constant 0 : i32
      %dma_wait3A_58 = arith.constant 0 : i32
      %dma_wait3A_59 = tpu.memref_slice %arg7[%dma_wait3A_57, %dma_wait3A_58] : memref<256x64xf32, #tpu.memory_space<vmem>> -> memref<128x64xf32, #tpu.memory_space<vmem>>
      %dma_wait3A_60 = arith.constant 0 : i32
      %dma_wait3A_61 = tpu.memref_slice %arg6[%dma_wait3A_60] : memref<25600xi32, #tpu.memory_space<vmem>> -> memref<128xi32, #tpu.memory_space<vmem>>
      %dma_wait3A_62 = arith.constant 0 : i32
      %dma_wait3A_63 = arith.constant 0 : i32
      %dma_wait3A_64 = tpu.memref_slice %arg2[%dma_wait3A_62, %dma_wait3A_63] : memref<2000000x64xf32, #tpu.memory_space<hbm>> -> memref<2000000x64xf32, #tpu.memory_space<hbm>>
      tpu.wait_indirect_dma semaphore(%arg12 : memref<!tpu.dma_semaphore, #tpu.memory_space<semaphore_mem>>) src(%dma_wait3A_64 : memref<2000000x64xf32, #tpu.memory_space<hbm>>) dst(%dma_wait3A_59 : memref<128x64xf32, #tpu.memory_space<vmem>>)
      %dma_wait3A_65 = arith.constant 128 : i32
      %dma_wait3A_66 = arith.constant 0 : i32
      %dma_wait3A_67 = tpu.memref_slice %arg7[%dma_wait3A_65, %dma_wait3A_66] : memref<256x64xf32, #tpu.memory_space<vmem>> -> memref<128x64xf32, #tpu.memory_space<vmem>>
      %dma_wait3A_68 = arith.constant 0 : i32
      %dma_wait3A_69 = tpu.memref_slice %arg6[%dma_wait3A_68] : memref<25600xi32, #tpu.memory_space<vmem>> -> memref<128xi32, #tpu.memory_space<vmem>>
      %dma_wait3A_70 = arith.constant 0 : i32
      %dma_wait3A_71 = arith.constant 0 : i32
      %dma_wait3A_72 = tpu.memref_slice %arg2[%dma_wait3A_70, %dma_wait3A_71] : memref<2000000x64xf32, #tpu.memory_space<hbm>> -> memref<2000000x64xf32, #tpu.memory_space<hbm>>
      tpu.wait_indirect_dma semaphore(%arg12 : memref<!tpu.dma_semaphore, #tpu.memory_space<semaphore_mem>>) src(%dma_wait3A_72 : memref<2000000x64xf32, #tpu.memory_space<hbm>>) dst(%dma_wait3A_67 : memref<128x64xf32, #tpu.memory_space<vmem>>)
      %mul3A_73 = arith.constant 256 : i32
      %mul3A_74 = arith.muli %add3A_56, %mul3A_73 : i32
      %add3A_75 = arith.addi %mul3A_2, %mul3A_74 : i32
      %rem3A = arith.constant 200 : i32
      %rem3A_76 = arith.remsi %add3A_75, %rem3A : i32
      %parallel_loop3A = arith.constant 0 : i32
      %parallel_loop3A_77 = arith.constant 256 : i32
      %parallel_loop3A_78 = arith.constant 1 : i32
      scf.for %parallel_loop3A_236 = %parallel_loop3A to %parallel_loop3A_77 step %parallel_loop3A_78  : i32 {
        %parallel_loop3A_237 = arith.addi %rem3A_76, %parallel_loop3A_236 : i32
        %parallel_loop3A_238 = arith.index_cast %parallel_loop3A_236 : i32 to index
        %parallel_loop3A_239 = arith.constant 0 : index
        %parallel_loop3A_240 = tpu.vector_load %arg7[%parallel_loop3A_238, %parallel_loop3A_239] {strides = array<i32>} : memref<256x64xf32, #tpu.memory_space<vmem>>, vector<1x16xf32>,
        %parallel_loop3A_241 = vector.shape_cast %parallel_loop3A_240 : vector<1x16xf32> to vector<16xf32>
        %parallel_loop3A_242 = arith.index_cast %parallel_loop3A_237 : i32 to index
        %parallel_loop3A_243 = arith.constant 0 : index
        %parallel_loop3A_244 = tpu.vector_load %arg11[%parallel_loop3A_242, %parallel_loop3A_243] {strides = array<i32>} : memref<456x64xf32, #tpu.memory_space<vmem>>, vector<1x16xf32>,
        %parallel_loop3A_245 = vector.shape_cast %parallel_loop3A_244 : vector<1x16xf32> to vector<16xf32>
        %parallel_loop3A_246 = arith.addf %parallel_loop3A_241, %parallel_loop3A_245 : vector<16xf32>
        %parallel_loop3A_247 = arith.index_cast %parallel_loop3A_236 : i32 to index
        %parallel_loop3A_248 = arith.constant 0 : index
        %parallel_loop3A_249 = tpu.vector_load %arg7[%parallel_loop3A_247, %parallel_loop3A_248] {strides = array<i32>} : memref<256x64xf32, #tpu.memory_space<vmem>>, vector<1x16xf32>,
        %parallel_loop3A_250 = vector.shape_cast %parallel_loop3A_249 : vector<1x16xf32> to vector<16xf32>
        %parallel_loop3A_251 = vector.shape_cast %parallel_loop3A_246 : vector<16xf32> to vector<1x16xf32>
        tpu.vector_store %arg7[%parallel_loop3A_247, %parallel_loop3A_248], %parallel_loop3A_251 {strides = array<i32>} : memref<256x64xf32, #tpu.memory_space<vmem>>, vector<1x16xf32>,
        %parallel_loop3A_252 = arith.index_cast %parallel_loop3A_236 : i32 to index
        %parallel_loop3A_253 = arith.constant 16 : index
        %parallel_loop3A_254 = tpu.vector_load %arg7[%parallel_loop3A_252, %parallel_loop3A_253] {strides = array<i32>} : memref<256x64xf32, #tpu.memory_space<vmem>>, vector<1x16xf32>,
        %parallel_loop3A_255 = vector.shape_cast %parallel_loop3A_254 : vector<1x16xf32> to vector<16xf32>
        %parallel_loop3A_256 = arith.index_cast %parallel_loop3A_237 : i32 to index
        %parallel_loop3A_257 = arith.constant 16 : index
        %parallel_loop3A_258 = tpu.vector_load %arg11[%parallel_loop3A_256, %parallel_loop3A_257] {strides = array<i32>} : memref<456x64xf32, #tpu.memory_space<vmem>>, vector<1x16xf32>,
        %parallel_loop3A_259 = vector.shape_cast %parallel_loop3A_258 : vector<1x16xf32> to vector<16xf32>
        %parallel_loop3A_260 = arith.addf %parallel_loop3A_255, %parallel_loop3A_259 : vector<16xf32>
        %parallel_loop3A_261 = arith.index_cast %parallel_loop3A_236 : i32 to index
        %parallel_loop3A_262 = arith.constant 16 : index
        %parallel_loop3A_263 = tpu.vector_load %arg7[%parallel_loop3A_261, %parallel_loop3A_262] {strides = array<i32>} : memref<256x64xf32, #tpu.memory_space<vmem>>, vector<1x16xf32>,
        %parallel_loop3A_264 = vector.shape_cast %parallel_loop3A_263 : vector<1x16xf32> to vector<16xf32>
        %parallel_loop3A_265 = vector.shape_cast %parallel_loop3A_260 : vector<16xf32> to vector<1x16xf32>
        tpu.vector_store %arg7[%parallel_loop3A_261, %parallel_loop3A_262], %parallel_loop3A_265 {strides = array<i32>} : memref<256x64xf32, #tpu.memory_space<vmem>>, vector<1x16xf32>,
        %parallel_loop3A_266 = arith.index_cast %parallel_loop3A_236 : i32 to index
        %parallel_loop3A_267 = arith.constant 32 : index
        %parallel_loop3A_268 = tpu.vector_load %arg7[%parallel_loop3A_266, %parallel_loop3A_267] {strides = array<i32>} : memref<256x64xf32, #tpu.memory_space<vmem>>, vector<1x16xf32>,
        %parallel_loop3A_269 = vector.shape_cast %parallel_loop3A_268 : vector<1x16xf32> to vector<16xf32>
        %parallel_loop3A_270 = arith.index_cast %parallel_loop3A_237 : i32 to index
        %parallel_loop3A_271 = arith.constant 32 : index
        %parallel_loop3A_272 = tpu.vector_load %arg11[%parallel_loop3A_270, %parallel_loop3A_271] {strides = array<i32>} : memref<456x64xf32, #tpu.memory_space<vmem>>, vector<1x16xf32>,
        %parallel_loop3A_273 = vector.shape_cast %parallel_loop3A_272 : vector<1x16xf32> to vector<16xf32>
        %parallel_loop3A_274 = arith.addf %parallel_loop3A_269, %parallel_loop3A_273 : vector<16xf32>
        %parallel_loop3A_275 = arith.index_cast %parallel_loop3A_236 : i32 to index
        %parallel_loop3A_276 = arith.constant 32 : index
        %parallel_loop3A_277 = tpu.vector_load %arg7[%parallel_loop3A_275, %parallel_loop3A_276] {strides = array<i32>} : memref<256x64xf32, #tpu.memory_space<vmem>>, vector<1x16xf32>,
        %parallel_loop3A_278 = vector.shape_cast %parallel_loop3A_277 : vector<1x16xf32> to vector<16xf32>
        %parallel_loop3A_279 = vector.shape_cast %parallel_loop3A_274 : vector<16xf32> to vector<1x16xf32>
        tpu.vector_store %arg7[%parallel_loop3A_275, %parallel_loop3A_276], %parallel_loop3A_279 {strides = array<i32>} : memref<256x64xf32, #tpu.memory_space<vmem>>, vector<1x16xf32>,
        %parallel_loop3A_280 = arith.index_cast %parallel_loop3A_236 : i32 to index
        %parallel_loop3A_281 = arith.constant 48 : index
        %parallel_loop3A_282 = tpu.vector_load %arg7[%parallel_loop3A_280, %parallel_loop3A_281] {strides = array<i32>} : memref<256x64xf32, #tpu.memory_space<vmem>>, vector<1x16xf32>,
        %parallel_loop3A_283 = vector.shape_cast %parallel_loop3A_282 : vector<1x16xf32> to vector<16xf32>
        %parallel_loop3A_284 = arith.index_cast %parallel_loop3A_237 : i32 to index
        %parallel_loop3A_285 = arith.constant 48 : index
        %parallel_loop3A_286 = tpu.vector_load %arg11[%parallel_loop3A_284, %parallel_loop3A_285] {strides = array<i32>} : memref<456x64xf32, #tpu.memory_space<vmem>>, vector<1x16xf32>,
        %parallel_loop3A_287 = vector.shape_cast %parallel_loop3A_286 : vector<1x16xf32> to vector<16xf32>
        %parallel_loop3A_288 = arith.addf %parallel_loop3A_283, %parallel_loop3A_287 : vector<16xf32>
        %parallel_loop3A_289 = arith.index_cast %parallel_loop3A_236 : i32 to index
        %parallel_loop3A_290 = arith.constant 48 : index
        %parallel_loop3A_291 = tpu.vector_load %arg7[%parallel_loop3A_289, %parallel_loop3A_290] {strides = array<i32>} : memref<256x64xf32, #tpu.memory_space<vmem>>, vector<1x16xf32>,
        %parallel_loop3A_292 = vector.shape_cast %parallel_loop3A_291 : vector<1x16xf32> to vector<16xf32>
        %parallel_loop3A_293 = vector.shape_cast %parallel_loop3A_288 : vector<16xf32> to vector<1x16xf32>
        tpu.vector_store %arg7[%parallel_loop3A_289, %parallel_loop3A_290], %parallel_loop3A_293 {strides = array<i32>} : memref<256x64xf32, #tpu.memory_space<vmem>>, vector<1x16xf32>,
      } {sc.loop_unroll_factor = 8 : i64, sc.parallel_access}
      %mul3A_79 = arith.constant 256 : i32
      %mul3A_80 = arith.muli %add3A_56, %mul3A_79 : i32
      %add3A_81 = arith.addi %mul3A_2, %mul3A_80 : i32
      %dma_start3A_82 = arith.constant 0 : i32
      %dma_start3A_83 = tpu.memref_slice %arg5[%add3A_81, %dma_start3A_82] : memref<819200x128xf32, #tpu.memory_space<hbm>> -> memref<256x64xf32, #tpu.memory_space<hbm>>
      %dma_start3A_84 = arith.constant 0 : i32
      %dma_start3A_85 = tpu.memref_slice %arg5[%add3A_81, %dma_start3A_84] : memref<819200x128xf32, #tpu.memory_space<hbm>> -> memref<256x64xf32, #tpu.memory_space<hbm>>
      tpu.enqueue_dma source(%arg7 : memref<256x64xf32, #tpu.memory_space<vmem>>) target(%dma_start3A_85 : memref<256x64xf32, #tpu.memory_space<hbm>>) target_semaphore(%arg16 : memref<!tpu.dma_semaphore, #tpu.memory_space<semaphore_mem>>)
      %ge3A = arith.constant 2 : i32
      %ge3A_86 = arith.cmpi sge, %add3A_56, %ge3A : i32
      %convert_element_type3A = arith.extui %ge3A_86 : i1 to i32
      %cond3A = arith.constant 0 : i32
      %cond3A_87 = arith.cmpi ne, %convert_element_type3A, %cond3A : i32
      scf.if %cond3A_87 {
        %dma_wait3A_236 = arith.constant 0 : i32
        %dma_wait3A_237 = arith.constant 0 : i32
        %dma_wait3A_238 = tpu.memref_slice %arg5[%dma_wait3A_236, %dma_wait3A_237] : memref<819200x128xf32, #tpu.memory_space<hbm>> -> memref<256x64xf32, #tpu.memory_space<hbm>>
        %dma_wait3A_239 = arith.constant 0 : i32
        %dma_wait3A_240 = arith.constant 0 : i32
        %dma_wait3A_241 = tpu.memref_slice %arg5[%dma_wait3A_239, %dma_wait3A_240] : memref<819200x128xf32, #tpu.memory_space<hbm>> -> memref<256x64xf32, #tpu.memory_space<hbm>>
        tpu.wait_dma2 semaphore(%arg18 : memref<!tpu.dma_semaphore, #tpu.memory_space<semaphore_mem>>) src(%arg9 : memref<256x64xf32, #tpu.memory_space<vmem>>) dst(%dma_wait3A_241 : memref<256x64xf32, #tpu.memory_space<hbm>>)
      } else {
      }
      %add3A_88 = arith.constant 2 : i32
      %add3A_89 = arith.addi %add3A_56, %add3A_88 : i32
      %lt3A = arith.constant 100 : i32
      %lt3A_90 = arith.cmpi slt, %add3A_89, %lt3A : i32
      %convert_element_type3A_91 = arith.extui %lt3A_90 : i1 to i32
      %cond3A_92 = arith.constant 0 : i32
      %cond3A_93 = arith.cmpi ne, %convert_element_type3A_91, %cond3A_92 : i32
      scf.if %cond3A_93 {
        %add3A_236 = arith.constant 2 : i32
        %add3A_237 = arith.addi %add3A_56, %add3A_236 : i32
        %mul3A_238 = arith.constant 256 : i32
        %mul3A_239 = arith.muli %add3A_237, %mul3A_238 : i32
        %add3A_240 = arith.constant 0 : i32
        %add3A_241 = arith.addi %mul3A_239, %add3A_240 : i32
        %dma_start3A_242 = arith.constant 0 : i32
        %dma_start3A_243 = arith.constant 0 : i32
        %dma_start3A_244 = tpu.memref_slice %arg9[%dma_start3A_242, %dma_start3A_243] : memref<256x64xf32, #tpu.memory_space<vmem>> -> memref<128x64xf32, #tpu.memory_space<vmem>>
        %dma_start3A_245 = tpu.memref_slice %arg6[%add3A_241] : memref<25600xi32, #tpu.memory_space<vmem>> -> memref<128xi32, #tpu.memory_space<vmem>>
        %dma_start3A_246 = arith.constant 0 : i32
        %dma_start3A_247 = arith.constant 0 : i32
        %dma_start3A_248 = tpu.memref_slice %arg2[%dma_start3A_246, %dma_start3A_247] : memref<2000000x64xf32, #tpu.memory_space<hbm>> -> memref<2000000x64xf32, #tpu.memory_space<hbm>>
        tpu.enqueue_indirect_dma source(%dma_start3A_248 : memref<2000000x64xf32, #tpu.memory_space<hbm>>) target(%dma_start3A_244 : memref<128x64xf32, #tpu.memory_space<vmem>>) offsets(%dma_start3A_245 : memref<128xi32, #tpu.memory_space<vmem>>) semaphore(%arg14 : memref<!tpu.dma_semaphore, #tpu.memory_space<semaphore_mem>>)
        %mul3A_249 = arith.constant 256 : i32
        %mul3A_250 = arith.muli %add3A_237, %mul3A_249 : i32
        %add3A_251 = arith.constant 128 : i32
        %add3A_252 = arith.addi %mul3A_250, %add3A_251 : i32
        %dma_start3A_253 = arith.constant 128 : i32
        %dma_start3A_254 = arith.constant 0 : i32
        %dma_start3A_255 = tpu.memref_slice %arg9[%dma_start3A_253, %dma_start3A_254] : memref<256x64xf32, #tpu.memory_space<vmem>> -> memref<128x64xf32, #tpu.memory_space<vmem>>
        %dma_start3A_256 = tpu.memref_slice %arg6[%add3A_252] : memref<25600xi32, #tpu.memory_space<vmem>> -> memref<128xi32, #tpu.memory_space<vmem>>
        %dma_start3A_257 = arith.constant 0 : i32
        %dma_start3A_258 = arith.constant 0 : i32
        %dma_start3A_259 = tpu.memref_slice %arg2[%dma_start3A_257, %dma_start3A_258] : memref<2000000x64xf32, #tpu.memory_space<hbm>> -> memref<2000000x64xf32, #tpu.memory_space<hbm>>
        tpu.enqueue_indirect_dma source(%dma_start3A_259 : memref<2000000x64xf32, #tpu.memory_space<hbm>>) target(%dma_start3A_255 : memref<128x64xf32, #tpu.memory_space<vmem>>) offsets(%dma_start3A_256 : memref<128xi32, #tpu.memory_space<vmem>>) semaphore(%arg14 : memref<!tpu.dma_semaphore, #tpu.memory_space<semaphore_mem>>)
      } else {
      }
      %mul3A_94 = arith.constant 4 : i32
      %mul3A_95 = arith.muli %scan3A_51, %mul3A_94 : i32
      %add3A_96 = arith.constant 1 : i32
      %add3A_97 = arith.addi %mul3A_95, %add3A_96 : i32
      %dma_wait3A_98 = arith.constant 0 : i32
      %dma_wait3A_99 = arith.constant 0 : i32
      %dma_wait3A_100 = tpu.memref_slice %arg8[%dma_wait3A_98, %dma_wait3A_99] : memref<256x64xf32, #tpu.memory_space<vmem>> -> memref<128x64xf32, #tpu.memory_space<vmem>>
      %dma_wait3A_101 = arith.constant 0 : i32
      %dma_wait3A_102 = tpu.memref_slice %arg6[%dma_wait3A_101] : memref<25600xi32, #tpu.memory_space<vmem>> -> memref<128xi32, #tpu.memory_space<vmem>>
      %dma_wait3A_103 = arith.constant 0 : i32
      %dma_wait3A_104 = arith.constant 0 : i32
      %dma_wait3A_105 = tpu.memref_slice %arg2[%dma_wait3A_103, %dma_wait3A_104] : memref<2000000x64xf32, #tpu.memory_space<hbm>> -> memref<2000000x64xf32, #tpu.memory_space<hbm>>
      tpu.wait_indirect_dma semaphore(%arg13 : memref<!tpu.dma_semaphore, #tpu.memory_space<semaphore_mem>>) src(%dma_wait3A_105 : memref<2000000x64xf32, #tpu.memory_space<hbm>>) dst(%dma_wait3A_100 : memref<128x64xf32, #tpu.memory_space<vmem>>)
      %dma_wait3A_106 = arith.constant 128 : i32
      %dma_wait3A_107 = arith.constant 0 : i32
      %dma_wait3A_108 = tpu.memref_slice %arg8[%dma_wait3A_106, %dma_wait3A_107] : memref<256x64xf32, #tpu.memory_space<vmem>> -> memref<128x64xf32, #tpu.memory_space<vmem>>
      %dma_wait3A_109 = arith.constant 0 : i32
      %dma_wait3A_110 = tpu.memref_slice %arg6[%dma_wait3A_109] : memref<25600xi32, #tpu.memory_space<vmem>> -> memref<128xi32, #tpu.memory_space<vmem>>
      %dma_wait3A_111 = arith.constant 0 : i32
      %dma_wait3A_112 = arith.constant 0 : i32
      %dma_wait3A_113 = tpu.memref_slice %arg2[%dma_wait3A_111, %dma_wait3A_112] : memref<2000000x64xf32, #tpu.memory_space<hbm>> -> memref<2000000x64xf32, #tpu.memory_space<hbm>>
      tpu.wait_indirect_dma semaphore(%arg13 : memref<!tpu.dma_semaphore, #tpu.memory_space<semaphore_mem>>) src(%dma_wait3A_113 : memref<2000000x64xf32, #tpu.memory_space<hbm>>) dst(%dma_wait3A_108 : memref<128x64xf32, #tpu.memory_space<vmem>>)
      %mul3A_114 = arith.constant 256 : i32
      %mul3A_115 = arith.muli %add3A_97, %mul3A_114 : i32
      %add3A_116 = arith.addi %mul3A_2, %mul3A_115 : i32
      %rem3A_117 = arith.constant 200 : i32
      %rem3A_118 = arith.remsi %add3A_116, %rem3A_117 : i32
      %parallel_loop3A_119 = arith.constant 0 : i32
      %parallel_loop3A_120 = arith.constant 256 : i32
      %parallel_loop3A_121 = arith.constant 1 : i32
      scf.for %parallel_loop3A_236 = %parallel_loop3A_119 to %parallel_loop3A_120 step %parallel_loop3A_121  : i32 {
        %parallel_loop3A_237 = arith.addi %rem3A_118, %parallel_loop3A_236 : i32
        %parallel_loop3A_238 = arith.index_cast %parallel_loop3A_236 : i32 to index
        %parallel_loop3A_239 = arith.constant 0 : index
        %parallel_loop3A_240 = tpu.vector_load %arg8[%parallel_loop3A_238, %parallel_loop3A_239] {strides = array<i32>} : memref<256x64xf32, #tpu.memory_space<vmem>>, vector<1x16xf32>,
        %parallel_loop3A_241 = vector.shape_cast %parallel_loop3A_240 : vector<1x16xf32> to vector<16xf32>
        %parallel_loop3A_242 = arith.index_cast %parallel_loop3A_237 : i32 to index
        %parallel_loop3A_243 = arith.constant 0 : index
        %parallel_loop3A_244 = tpu.vector_load %arg11[%parallel_loop3A_242, %parallel_loop3A_243] {strides = array<i32>} : memref<456x64xf32, #tpu.memory_space<vmem>>, vector<1x16xf32>,
        %parallel_loop3A_245 = vector.shape_cast %parallel_loop3A_244 : vector<1x16xf32> to vector<16xf32>
        %parallel_loop3A_246 = arith.addf %parallel_loop3A_241, %parallel_loop3A_245 : vector<16xf32>
        %parallel_loop3A_247 = arith.index_cast %parallel_loop3A_236 : i32 to index
        %parallel_loop3A_248 = arith.constant 0 : index
        %parallel_loop3A_249 = tpu.vector_load %arg8[%parallel_loop3A_247, %parallel_loop3A_248] {strides = array<i32>} : memref<256x64xf32, #tpu.memory_space<vmem>>, vector<1x16xf32>,
        %parallel_loop3A_250 = vector.shape_cast %parallel_loop3A_249 : vector<1x16xf32> to vector<16xf32>
        %parallel_loop3A_251 = vector.shape_cast %parallel_loop3A_246 : vector<16xf32> to vector<1x16xf32>
        tpu.vector_store %arg8[%parallel_loop3A_247, %parallel_loop3A_248], %parallel_loop3A_251 {strides = array<i32>} : memref<256x64xf32, #tpu.memory_space<vmem>>, vector<1x16xf32>,
        %parallel_loop3A_252 = arith.index_cast %parallel_loop3A_236 : i32 to index
        %parallel_loop3A_253 = arith.constant 16 : index
        %parallel_loop3A_254 = tpu.vector_load %arg8[%parallel_loop3A_252, %parallel_loop3A_253] {strides = array<i32>} : memref<256x64xf32, #tpu.memory_space<vmem>>, vector<1x16xf32>,
        %parallel_loop3A_255 = vector.shape_cast %parallel_loop3A_254 : vector<1x16xf32> to vector<16xf32>
        %parallel_loop3A_256 = arith.index_cast %parallel_loop3A_237 : i32 to index
        %parallel_loop3A_257 = arith.constant 16 : index
        %parallel_loop3A_258 = tpu.vector_load %arg11[%parallel_loop3A_256, %parallel_loop3A_257] {strides = array<i32>} : memref<456x64xf32, #tpu.memory_space<vmem>>, vector<1x16xf32>,
        %parallel_loop3A_259 = vector.shape_cast %parallel_loop3A_258 : vector<1x16xf32> to vector<16xf32>
        %parallel_loop3A_260 = arith.addf %parallel_loop3A_255, %parallel_loop3A_259 : vector<16xf32>
        %parallel_loop3A_261 = arith.index_cast %parallel_loop3A_236 : i32 to index
        %parallel_loop3A_262 = arith.constant 16 : index
        %parallel_loop3A_263 = tpu.vector_load %arg8[%parallel_loop3A_261, %parallel_loop3A_262] {strides = array<i32>} : memref<256x64xf32, #tpu.memory_space<vmem>>, vector<1x16xf32>,
        %parallel_loop3A_264 = vector.shape_cast %parallel_loop3A_263 : vector<1x16xf32> to vector<16xf32>
        %parallel_loop3A_265 = vector.shape_cast %parallel_loop3A_260 : vector<16xf32> to vector<1x16xf32>
        tpu.vector_store %arg8[%parallel_loop3A_261, %parallel_loop3A_262], %parallel_loop3A_265 {strides = array<i32>} : memref<256x64xf32, #tpu.memory_space<vmem>>, vector<1x16xf32>,
        %parallel_loop3A_266 = arith.index_cast %parallel_loop3A_236 : i32 to index
        %parallel_loop3A_267 = arith.constant 32 : index
        %parallel_loop3A_268 = tpu.vector_load %arg8[%parallel_loop3A_266, %parallel_loop3A_267] {strides = array<i32>} : memref<256x64xf32, #tpu.memory_space<vmem>>, vector<1x16xf32>,
        %parallel_loop3A_269 = vector.shape_cast %parallel_loop3A_268 : vector<1x16xf32> to vector<16xf32>
        %parallel_loop3A_270 = arith.index_cast %parallel_loop3A_237 : i32 to index
        %parallel_loop3A_271 = arith.constant 32 : index
        %parallel_loop3A_272 = tpu.vector_load %arg11[%parallel_loop3A_270, %parallel_loop3A_271] {strides = array<i32>} : memref<456x64xf32, #tpu.memory_space<vmem>>, vector<1x16xf32>,
        %parallel_loop3A_273 = vector.shape_cast %parallel_loop3A_272 : vector<1x16xf32> to vector<16xf32>
        %parallel_loop3A_274 = arith.addf %parallel_loop3A_269, %parallel_loop3A_273 : vector<16xf32>
        %parallel_loop3A_275 = arith.index_cast %parallel_loop3A_236 : i32 to index
        %parallel_loop3A_276 = arith.constant 32 : index
        %parallel_loop3A_277 = tpu.vector_load %arg8[%parallel_loop3A_275, %parallel_loop3A_276] {strides = array<i32>} : memref<256x64xf32, #tpu.memory_space<vmem>>, vector<1x16xf32>,
        %parallel_loop3A_278 = vector.shape_cast %parallel_loop3A_277 : vector<1x16xf32> to vector<16xf32>
        %parallel_loop3A_279 = vector.shape_cast %parallel_loop3A_274 : vector<16xf32> to vector<1x16xf32>
        tpu.vector_store %arg8[%parallel_loop3A_275, %parallel_loop3A_276], %parallel_loop3A_279 {strides = array<i32>} : memref<256x64xf32, #tpu.memory_space<vmem>>, vector<1x16xf32>,
        %parallel_loop3A_280 = arith.index_cast %parallel_loop3A_236 : i32 to index
        %parallel_loop3A_281 = arith.constant 48 : index
        %parallel_loop3A_282 = tpu.vector_load %arg8[%parallel_loop3A_280, %parallel_loop3A_281] {strides = array<i32>} : memref<256x64xf32, #tpu.memory_space<vmem>>, vector<1x16xf32>,
        %parallel_loop3A_283 = vector.shape_cast %parallel_loop3A_282 : vector<1x16xf32> to vector<16xf32>
        %parallel_loop3A_284 = arith.index_cast %parallel_loop3A_237 : i32 to index
        %parallel_loop3A_285 = arith.constant 48 : index
        %parallel_loop3A_286 = tpu.vector_load %arg11[%parallel_loop3A_284, %parallel_loop3A_285] {strides = array<i32>} : memref<456x64xf32, #tpu.memory_space<vmem>>, vector<1x16xf32>,
        %parallel_loop3A_287 = vector.shape_cast %parallel_loop3A_286 : vector<1x16xf32> to vector<16xf32>
        %parallel_loop3A_288 = arith.addf %parallel_loop3A_283, %parallel_loop3A_287 : vector<16xf32>
        %parallel_loop3A_289 = arith.index_cast %parallel_loop3A_236 : i32 to index
        %parallel_loop3A_290 = arith.constant 48 : index
        %parallel_loop3A_291 = tpu.vector_load %arg8[%parallel_loop3A_289, %parallel_loop3A_290] {strides = array<i32>} : memref<256x64xf32, #tpu.memory_space<vmem>>, vector<1x16xf32>,
        %parallel_loop3A_292 = vector.shape_cast %parallel_loop3A_291 : vector<1x16xf32> to vector<16xf32>
        %parallel_loop3A_293 = vector.shape_cast %parallel_loop3A_288 : vector<16xf32> to vector<1x16xf32>
        tpu.vector_store %arg8[%parallel_loop3A_289, %parallel_loop3A_290], %parallel_loop3A_293 {strides = array<i32>} : memref<256x64xf32, #tpu.memory_space<vmem>>, vector<1x16xf32>,
      } {sc.loop_unroll_factor = 8 : i64, sc.parallel_access}
      %mul3A_122 = arith.constant 256 : i32
      %mul3A_123 = arith.muli %add3A_97, %mul3A_122 : i32
      %add3A_124 = arith.addi %mul3A_2, %mul3A_123 : i32
      %dma_start3A_125 = arith.constant 0 : i32
      %dma_start3A_126 = tpu.memref_slice %arg5[%add3A_124, %dma_start3A_125] : memref<819200x128xf32, #tpu.memory_space<hbm>> -> memref<256x64xf32, #tpu.memory_space<hbm>>
      %dma_start3A_127 = arith.constant 0 : i32
      %dma_start3A_128 = tpu.memref_slice %arg5[%add3A_124, %dma_start3A_127] : memref<819200x128xf32, #tpu.memory_space<hbm>> -> memref<256x64xf32, #tpu.memory_space<hbm>>
      tpu.enqueue_dma source(%arg8 : memref<256x64xf32, #tpu.memory_space<vmem>>) target(%dma_start3A_128 : memref<256x64xf32, #tpu.memory_space<hbm>>) target_semaphore(%arg17 : memref<!tpu.dma_semaphore, #tpu.memory_space<semaphore_mem>>)
      %ge3A_129 = arith.constant 2 : i32
      %ge3A_130 = arith.cmpi sge, %add3A_97, %ge3A_129 : i32
      %convert_element_type3A_131 = arith.extui %ge3A_130 : i1 to i32
      %cond3A_132 = arith.constant 0 : i32
      %cond3A_133 = arith.cmpi ne, %convert_element_type3A_131, %cond3A_132 : i32
      scf.if %cond3A_133 {
        %dma_wait3A_236 = arith.constant 0 : i32
        %dma_wait3A_237 = arith.constant 0 : i32
        %dma_wait3A_238 = tpu.memref_slice %arg5[%dma_wait3A_236, %dma_wait3A_237] : memref<819200x128xf32, #tpu.memory_space<hbm>> -> memref<256x64xf32, #tpu.memory_space<hbm>>
        %dma_wait3A_239 = arith.constant 0 : i32
        %dma_wait3A_240 = arith.constant 0 : i32
        %dma_wait3A_241 = tpu.memref_slice %arg5[%dma_wait3A_239, %dma_wait3A_240] : memref<819200x128xf32, #tpu.memory_space<hbm>> -> memref<256x64xf32, #tpu.memory_space<hbm>>
        tpu.wait_dma2 semaphore(%arg19 : memref<!tpu.dma_semaphore, #tpu.memory_space<semaphore_mem>>) src(%arg10 : memref<256x64xf32, #tpu.memory_space<vmem>>) dst(%dma_wait3A_241 : memref<256x64xf32, #tpu.memory_space<hbm>>)
      } else {
      }
      %add3A_134 = arith.constant 2 : i32
      %add3A_135 = arith.addi %add3A_97, %add3A_134 : i32
      %lt3A_136 = arith.constant 100 : i32
      %lt3A_137 = arith.cmpi slt, %add3A_135, %lt3A_136 : i32
      %convert_element_type3A_138 = arith.extui %lt3A_137 : i1 to i32
      %cond3A_139 = arith.constant 0 : i32
      %cond3A_140 = arith.cmpi ne, %convert_element_type3A_138, %cond3A_139 : i32
      scf.if %cond3A_140 {
        %add3A_236 = arith.constant 2 : i32
        %add3A_237 = arith.addi %add3A_97, %add3A_236 : i32
        %mul3A_238 = arith.constant 256 : i32
        %mul3A_239 = arith.muli %add3A_237, %mul3A_238 : i32
        %add3A_240 = arith.constant 0 : i32
        %add3A_241 = arith.addi %mul3A_239, %add3A_240 : i32
        %dma_start3A_242 = arith.constant 0 : i32
        %dma_start3A_243 = arith.constant 0 : i32
        %dma_start3A_244 = tpu.memref_slice %arg10[%dma_start3A_242, %dma_start3A_243] : memref<256x64xf32, #tpu.memory_space<vmem>> -> memref<128x64xf32, #tpu.memory_space<vmem>>
        %dma_start3A_245 = tpu.memref_slice %arg6[%add3A_241] : memref<25600xi32, #tpu.memory_space<vmem>> -> memref<128xi32, #tpu.memory_space<vmem>>
        %dma_start3A_246 = arith.constant 0 : i32
        %dma_start3A_247 = arith.constant 0 : i32
        %dma_start3A_248 = tpu.memref_slice %arg2[%dma_start3A_246, %dma_start3A_247] : memref<2000000x64xf32, #tpu.memory_space<hbm>> -> memref<2000000x64xf32, #tpu.memory_space<hbm>>
        tpu.enqueue_indirect_dma source(%dma_start3A_248 : memref<2000000x64xf32, #tpu.memory_space<hbm>>) target(%dma_start3A_244 : memref<128x64xf32, #tpu.memory_space<vmem>>) offsets(%dma_start3A_245 : memref<128xi32, #tpu.memory_space<vmem>>) semaphore(%arg15 : memref<!tpu.dma_semaphore, #tpu.memory_space<semaphore_mem>>)
        %mul3A_249 = arith.constant 256 : i32
        %mul3A_250 = arith.muli %add3A_237, %mul3A_249 : i32
        %add3A_251 = arith.constant 128 : i32
        %add3A_252 = arith.addi %mul3A_250, %add3A_251 : i32
        %dma_start3A_253 = arith.constant 128 : i32
        %dma_start3A_254 = arith.constant 0 : i32
        %dma_start3A_255 = tpu.memref_slice %arg10[%dma_start3A_253, %dma_start3A_254] : memref<256x64xf32, #tpu.memory_space<vmem>> -> memref<128x64xf32, #tpu.memory_space<vmem>>
        %dma_start3A_256 = tpu.memref_slice %arg6[%add3A_252] : memref<25600xi32, #tpu.memory_space<vmem>> -> memref<128xi32, #tpu.memory_space<vmem>>
        %dma_start3A_257 = arith.constant 0 : i32
        %dma_start3A_258 = arith.constant 0 : i32
        %dma_start3A_259 = tpu.memref_slice %arg2[%dma_start3A_257, %dma_start3A_258] : memref<2000000x64xf32, #tpu.memory_space<hbm>> -> memref<2000000x64xf32, #tpu.memory_space<hbm>>
        tpu.enqueue_indirect_dma source(%dma_start3A_259 : memref<2000000x64xf32, #tpu.memory_space<hbm>>) target(%dma_start3A_255 : memref<128x64xf32, #tpu.memory_space<vmem>>) offsets(%dma_start3A_256 : memref<128xi32, #tpu.memory_space<vmem>>) semaphore(%arg15 : memref<!tpu.dma_semaphore, #tpu.memory_space<semaphore_mem>>)
      } else {
      }
      %mul3A_141 = arith.constant 4 : i32
      %mul3A_142 = arith.muli %scan3A_51, %mul3A_141 : i32
      %add3A_143 = arith.constant 2 : i32
      %add3A_144 = arith.addi %mul3A_142, %add3A_143 : i32
      %dma_wait3A_145 = arith.constant 0 : i32
      %dma_wait3A_146 = arith.constant 0 : i32
      %dma_wait3A_147 = tpu.memref_slice %arg9[%dma_wait3A_145, %dma_wait3A_146] : memref<256x64xf32, #tpu.memory_space<vmem>> -> memref<128x64xf32, #tpu.memory_space<vmem>>
      %dma_wait3A_148 = arith.constant 0 : i32
      %dma_wait3A_149 = tpu.memref_slice %arg6[%dma_wait3A_148] : memref<25600xi32, #tpu.memory_space<vmem>> -> memref<128xi32, #tpu.memory_space<vmem>>
      %dma_wait3A_150 = arith.constant 0 : i32
      %dma_wait3A_151 = arith.constant 0 : i32
      %dma_wait3A_152 = tpu.memref_slice %arg2[%dma_wait3A_150, %dma_wait3A_151] : memref<2000000x64xf32, #tpu.memory_space<hbm>> -> memref<2000000x64xf32, #tpu.memory_space<hbm>>
      tpu.wait_indirect_dma semaphore(%arg14 : memref<!tpu.dma_semaphore, #tpu.memory_space<semaphore_mem>>) src(%dma_wait3A_152 : memref<2000000x64xf32, #tpu.memory_space<hbm>>) dst(%dma_wait3A_147 : memref<128x64xf32, #tpu.memory_space<vmem>>)
      %dma_wait3A_153 = arith.constant 128 : i32
      %dma_wait3A_154 = arith.constant 0 : i32
      %dma_wait3A_155 = tpu.memref_slice %arg9[%dma_wait3A_153, %dma_wait3A_154] : memref<256x64xf32, #tpu.memory_space<vmem>> -> memref<128x64xf32, #tpu.memory_space<vmem>>
      %dma_wait3A_156 = arith.constant 0 : i32
      %dma_wait3A_157 = tpu.memref_slice %arg6[%dma_wait3A_156] : memref<25600xi32, #tpu.memory_space<vmem>> -> memref<128xi32, #tpu.memory_space<vmem>>
      %dma_wait3A_158 = arith.constant 0 : i32
      %dma_wait3A_159 = arith.constant 0 : i32
      %dma_wait3A_160 = tpu.memref_slice %arg2[%dma_wait3A_158, %dma_wait3A_159] : memref<2000000x64xf32, #tpu.memory_space<hbm>> -> memref<2000000x64xf32, #tpu.memory_space<hbm>>
      tpu.wait_indirect_dma semaphore(%arg14 : memref<!tpu.dma_semaphore, #tpu.memory_space<semaphore_mem>>) src(%dma_wait3A_160 : memref<2000000x64xf32, #tpu.memory_space<hbm>>) dst(%dma_wait3A_155 : memref<128x64xf32, #tpu.memory_space<vmem>>)
      %mul3A_161 = arith.constant 256 : i32
      %mul3A_162 = arith.muli %add3A_144, %mul3A_161 : i32
      %add3A_163 = arith.addi %mul3A_2, %mul3A_162 : i32
      %rem3A_164 = arith.constant 200 : i32
      %rem3A_165 = arith.remsi %add3A_163, %rem3A_164 : i32
      %parallel_loop3A_166 = arith.constant 0 : i32
      %parallel_loop3A_167 = arith.constant 256 : i32
      %parallel_loop3A_168 = arith.constant 1 : i32
      scf.for %parallel_loop3A_236 = %parallel_loop3A_166 to %parallel_loop3A_167 step %parallel_loop3A_168  : i32 {
        %parallel_loop3A_237 = arith.addi %rem3A_165, %parallel_loop3A_236 : i32
        %parallel_loop3A_238 = arith.index_cast %parallel_loop3A_236 : i32 to index
        %parallel_loop3A_239 = arith.constant 0 : index
        %parallel_loop3A_240 = tpu.vector_load %arg9[%parallel_loop3A_238, %parallel_loop3A_239] {strides = array<i32>} : memref<256x64xf32, #tpu.memory_space<vmem>>, vector<1x16xf32>,
        %parallel_loop3A_241 = vector.shape_cast %parallel_loop3A_240 : vector<1x16xf32> to vector<16xf32>
        %parallel_loop3A_242 = arith.index_cast %parallel_loop3A_237 : i32 to index
        %parallel_loop3A_243 = arith.constant 0 : index
        %parallel_loop3A_244 = tpu.vector_load %arg11[%parallel_loop3A_242, %parallel_loop3A_243] {strides = array<i32>} : memref<456x64xf32, #tpu.memory_space<vmem>>, vector<1x16xf32>,
        %parallel_loop3A_245 = vector.shape_cast %parallel_loop3A_244 : vector<1x16xf32> to vector<16xf32>
        %parallel_loop3A_246 = arith.addf %parallel_loop3A_241, %parallel_loop3A_245 : vector<16xf32>
        %parallel_loop3A_247 = arith.index_cast %parallel_loop3A_236 : i32 to index
        %parallel_loop3A_248 = arith.constant 0 : index
        %parallel_loop3A_249 = tpu.vector_load %arg9[%parallel_loop3A_247, %parallel_loop3A_248] {strides = array<i32>} : memref<256x64xf32, #tpu.memory_space<vmem>>, vector<1x16xf32>,
        %parallel_loop3A_250 = vector.shape_cast %parallel_loop3A_249 : vector<1x16xf32> to vector<16xf32>
        %parallel_loop3A_251 = vector.shape_cast %parallel_loop3A_246 : vector<16xf32> to vector<1x16xf32>
        tpu.vector_store %arg9[%parallel_loop3A_247, %parallel_loop3A_248], %parallel_loop3A_251 {strides = array<i32>} : memref<256x64xf32, #tpu.memory_space<vmem>>, vector<1x16xf32>,
        %parallel_loop3A_252 = arith.index_cast %parallel_loop3A_236 : i32 to index
        %parallel_loop3A_253 = arith.constant 16 : index
        %parallel_loop3A_254 = tpu.vector_load %arg9[%parallel_loop3A_252, %parallel_loop3A_253] {strides = array<i32>} : memref<256x64xf32, #tpu.memory_space<vmem>>, vector<1x16xf32>,
        %parallel_loop3A_255 = vector.shape_cast %parallel_loop3A_254 : vector<1x16xf32> to vector<16xf32>
        %parallel_loop3A_256 = arith.index_cast %parallel_loop3A_237 : i32 to index
        %parallel_loop3A_257 = arith.constant 16 : index
        %parallel_loop3A_258 = tpu.vector_load %arg11[%parallel_loop3A_256, %parallel_loop3A_257] {strides = array<i32>} : memref<456x64xf32, #tpu.memory_space<vmem>>, vector<1x16xf32>,
        %parallel_loop3A_259 = vector.shape_cast %parallel_loop3A_258 : vector<1x16xf32> to vector<16xf32>
        %parallel_loop3A_260 = arith.addf %parallel_loop3A_255, %parallel_loop3A_259 : vector<16xf32>
        %parallel_loop3A_261 = arith.index_cast %parallel_loop3A_236 : i32 to index
        %parallel_loop3A_262 = arith.constant 16 : index
        %parallel_loop3A_263 = tpu.vector_load %arg9[%parallel_loop3A_261, %parallel_loop3A_262] {strides = array<i32>} : memref<256x64xf32, #tpu.memory_space<vmem>>, vector<1x16xf32>,
        %parallel_loop3A_264 = vector.shape_cast %parallel_loop3A_263 : vector<1x16xf32> to vector<16xf32>
        %parallel_loop3A_265 = vector.shape_cast %parallel_loop3A_260 : vector<16xf32> to vector<1x16xf32>
        tpu.vector_store %arg9[%parallel_loop3A_261, %parallel_loop3A_262], %parallel_loop3A_265 {strides = array<i32>} : memref<256x64xf32, #tpu.memory_space<vmem>>, vector<1x16xf32>,
        %parallel_loop3A_266 = arith.index_cast %parallel_loop3A_236 : i32 to index
        %parallel_loop3A_267 = arith.constant 32 : index
        %parallel_loop3A_268 = tpu.vector_load %arg9[%parallel_loop3A_266, %parallel_loop3A_267] {strides = array<i32>} : memref<256x64xf32, #tpu.memory_space<vmem>>, vector<1x16xf32>,
        %parallel_loop3A_269 = vector.shape_cast %parallel_loop3A_268 : vector<1x16xf32> to vector<16xf32>
        %parallel_loop3A_270 = arith.index_cast %parallel_loop3A_237 : i32 to index
        %parallel_loop3A_271 = arith.constant 32 : index
        %parallel_loop3A_272 = tpu.vector_load %arg11[%parallel_loop3A_270, %parallel_loop3A_271] {strides = array<i32>} : memref<456x64xf32, #tpu.memory_space<vmem>>, vector<1x16xf32>,
        %parallel_loop3A_273 = vector.shape_cast %parallel_loop3A_272 : vector<1x16xf32> to vector<16xf32>
        %parallel_loop3A_274 = arith.addf %parallel_loop3A_269, %parallel_loop3A_273 : vector<16xf32>
        %parallel_loop3A_275 = arith.index_cast %parallel_loop3A_236 : i32 to index
        %parallel_loop3A_276 = arith.constant 32 : index
        %parallel_loop3A_277 = tpu.vector_load %arg9[%parallel_loop3A_275, %parallel_loop3A_276] {strides = array<i32>} : memref<256x64xf32, #tpu.memory_space<vmem>>, vector<1x16xf32>,
        %parallel_loop3A_278 = vector.shape_cast %parallel_loop3A_277 : vector<1x16xf32> to vector<16xf32>
        %parallel_loop3A_279 = vector.shape_cast %parallel_loop3A_274 : vector<16xf32> to vector<1x16xf32>
        tpu.vector_store %arg9[%parallel_loop3A_275, %parallel_loop3A_276], %parallel_loop3A_279 {strides = array<i32>} : memref<256x64xf32, #tpu.memory_space<vmem>>, vector<1x16xf32>,
        %parallel_loop3A_280 = arith.index_cast %parallel_loop3A_236 : i32 to index
        %parallel_loop3A_281 = arith.constant 48 : index
        %parallel_loop3A_282 = tpu.vector_load %arg9[%parallel_loop3A_280, %parallel_loop3A_281] {strides = array<i32>} : memref<256x64xf32, #tpu.memory_space<vmem>>, vector<1x16xf32>,
        %parallel_loop3A_283 = vector.shape_cast %parallel_loop3A_282 : vector<1x16xf32> to vector<16xf32>
        %parallel_loop3A_284 = arith.index_cast %parallel_loop3A_237 : i32 to index
        %parallel_loop3A_285 = arith.constant 48 : index
        %parallel_loop3A_286 = tpu.vector_load %arg11[%parallel_loop3A_284, %parallel_loop3A_285] {strides = array<i32>} : memref<456x64xf32, #tpu.memory_space<vmem>>, vector<1x16xf32>,
        %parallel_loop3A_287 = vector.shape_cast %parallel_loop3A_286 : vector<1x16xf32> to vector<16xf32>
        %parallel_loop3A_288 = arith.addf %parallel_loop3A_283, %parallel_loop3A_287 : vector<16xf32>
        %parallel_loop3A_289 = arith.index_cast %parallel_loop3A_236 : i32 to index
        %parallel_loop3A_290 = arith.constant 48 : index
        %parallel_loop3A_291 = tpu.vector_load %arg9[%parallel_loop3A_289, %parallel_loop3A_290] {strides = array<i32>} : memref<256x64xf32, #tpu.memory_space<vmem>>, vector<1x16xf32>,
        %parallel_loop3A_292 = vector.shape_cast %parallel_loop3A_291 : vector<1x16xf32> to vector<16xf32>
        %parallel_loop3A_293 = vector.shape_cast %parallel_loop3A_288 : vector<16xf32> to vector<1x16xf32>
        tpu.vector_store %arg9[%parallel_loop3A_289, %parallel_loop3A_290], %parallel_loop3A_293 {strides = array<i32>} : memref<256x64xf32, #tpu.memory_space<vmem>>, vector<1x16xf32>,
      } {sc.loop_unroll_factor = 8 : i64, sc.parallel_access}
      %mul3A_169 = arith.constant 256 : i32
      %mul3A_170 = arith.muli %add3A_144, %mul3A_169 : i32
      %add3A_171 = arith.addi %mul3A_2, %mul3A_170 : i32
      %dma_start3A_172 = arith.constant 0 : i32
      %dma_start3A_173 = tpu.memref_slice %arg5[%add3A_171, %dma_start3A_172] : memref<819200x128xf32, #tpu.memory_space<hbm>> -> memref<256x64xf32, #tpu.memory_space<hbm>>
      %dma_start3A_174 = arith.constant 0 : i32
      %dma_start3A_175 = tpu.memref_slice %arg5[%add3A_171, %dma_start3A_174] : memref<819200x128xf32, #tpu.memory_space<hbm>> -> memref<256x64xf32, #tpu.memory_space<hbm>>
      tpu.enqueue_dma source(%arg9 : memref<256x64xf32, #tpu.memory_space<vmem>>) target(%dma_start3A_175 : memref<256x64xf32, #tpu.memory_space<hbm>>) target_semaphore(%arg18 : memref<!tpu.dma_semaphore, #tpu.memory_space<semaphore_mem>>)
      %ge3A_176 = arith.constant 2 : i32
      %ge3A_177 = arith.cmpi sge, %add3A_144, %ge3A_176 : i32
      %convert_element_type3A_178 = arith.extui %ge3A_177 : i1 to i32
      %cond3A_179 = arith.constant 0 : i32
      %cond3A_180 = arith.cmpi ne, %convert_element_type3A_178, %cond3A_179 : i32
      scf.if %cond3A_180 {
        %dma_wait3A_236 = arith.constant 0 : i32
        %dma_wait3A_237 = arith.constant 0 : i32
        %dma_wait3A_238 = tpu.memref_slice %arg5[%dma_wait3A_236, %dma_wait3A_237] : memref<819200x128xf32, #tpu.memory_space<hbm>> -> memref<256x64xf32, #tpu.memory_space<hbm>>
        %dma_wait3A_239 = arith.constant 0 : i32
        %dma_wait3A_240 = arith.constant 0 : i32
        %dma_wait3A_241 = tpu.memref_slice %arg5[%dma_wait3A_239, %dma_wait3A_240] : memref<819200x128xf32, #tpu.memory_space<hbm>> -> memref<256x64xf32, #tpu.memory_space<hbm>>
        tpu.wait_dma2 semaphore(%arg16 : memref<!tpu.dma_semaphore, #tpu.memory_space<semaphore_mem>>) src(%arg7 : memref<256x64xf32, #tpu.memory_space<vmem>>) dst(%dma_wait3A_241 : memref<256x64xf32, #tpu.memory_space<hbm>>)
      } else {
      }
      %add3A_181 = arith.constant 2 : i32
      %add3A_182 = arith.addi %add3A_144, %add3A_181 : i32
      %lt3A_183 = arith.constant 100 : i32
      %lt3A_184 = arith.cmpi slt, %add3A_182, %lt3A_183 : i32
      %convert_element_type3A_185 = arith.extui %lt3A_184 : i1 to i32
      %cond3A_186 = arith.constant 0 : i32
      %cond3A_187 = arith.cmpi ne, %convert_element_type3A_185, %cond3A_186 : i32
      scf.if %cond3A_187 {
        %add3A_236 = arith.constant 2 : i32
        %add3A_237 = arith.addi %add3A_144, %add3A_236 : i32
        %mul3A_238 = arith.constant 256 : i32
        %mul3A_239 = arith.muli %add3A_237, %mul3A_238 : i32
        %add3A_240 = arith.constant 0 : i32
        %add3A_241 = arith.addi %mul3A_239, %add3A_240 : i32
        %dma_start3A_242 = arith.constant 0 : i32
        %dma_start3A_243 = arith.constant 0 : i32
        %dma_start3A_244 = tpu.memref_slice %arg7[%dma_start3A_242, %dma_start3A_243] : memref<256x64xf32, #tpu.memory_space<vmem>> -> memref<128x64xf32, #tpu.memory_space<vmem>>
        %dma_start3A_245 = tpu.memref_slice %arg6[%add3A_241] : memref<25600xi32, #tpu.memory_space<vmem>> -> memref<128xi32, #tpu.memory_space<vmem>>
        %dma_start3A_246 = arith.constant 0 : i32
        %dma_start3A_247 = arith.constant 0 : i32
        %dma_start3A_248 = tpu.memref_slice %arg2[%dma_start3A_246, %dma_start3A_247] : memref<2000000x64xf32, #tpu.memory_space<hbm>> -> memref<2000000x64xf32, #tpu.memory_space<hbm>>
        tpu.enqueue_indirect_dma source(%dma_start3A_248 : memref<2000000x64xf32, #tpu.memory_space<hbm>>) target(%dma_start3A_244 : memref<128x64xf32, #tpu.memory_space<vmem>>) offsets(%dma_start3A_245 : memref<128xi32, #tpu.memory_space<vmem>>) semaphore(%arg12 : memref<!tpu.dma_semaphore, #tpu.memory_space<semaphore_mem>>)
        %mul3A_249 = arith.constant 256 : i32
        %mul3A_250 = arith.muli %add3A_237, %mul3A_249 : i32
        %add3A_251 = arith.constant 128 : i32
        %add3A_252 = arith.addi %mul3A_250, %add3A_251 : i32
        %dma_start3A_253 = arith.constant 128 : i32
        %dma_start3A_254 = arith.constant 0 : i32
        %dma_start3A_255 = tpu.memref_slice %arg7[%dma_start3A_253, %dma_start3A_254] : memref<256x64xf32, #tpu.memory_space<vmem>> -> memref<128x64xf32, #tpu.memory_space<vmem>>
        %dma_start3A_256 = tpu.memref_slice %arg6[%add3A_252] : memref<25600xi32, #tpu.memory_space<vmem>> -> memref<128xi32, #tpu.memory_space<vmem>>
        %dma_start3A_257 = arith.constant 0 : i32
        %dma_start3A_258 = arith.constant 0 : i32
        %dma_start3A_259 = tpu.memref_slice %arg2[%dma_start3A_257, %dma_start3A_258] : memref<2000000x64xf32, #tpu.memory_space<hbm>> -> memref<2000000x64xf32, #tpu.memory_space<hbm>>
        tpu.enqueue_indirect_dma source(%dma_start3A_259 : memref<2000000x64xf32, #tpu.memory_space<hbm>>) target(%dma_start3A_255 : memref<128x64xf32, #tpu.memory_space<vmem>>) offsets(%dma_start3A_256 : memref<128xi32, #tpu.memory_space<vmem>>) semaphore(%arg12 : memref<!tpu.dma_semaphore, #tpu.memory_space<semaphore_mem>>)
      } else {
      }
      %mul3A_188 = arith.constant 4 : i32
      %mul3A_189 = arith.muli %scan3A_51, %mul3A_188 : i32
      %add3A_190 = arith.constant 3 : i32
      %add3A_191 = arith.addi %mul3A_189, %add3A_190 : i32
      %dma_wait3A_192 = arith.constant 0 : i32
      %dma_wait3A_193 = arith.constant 0 : i32
      %dma_wait3A_194 = tpu.memref_slice %arg10[%dma_wait3A_192, %dma_wait3A_193] : memref<256x64xf32, #tpu.memory_space<vmem>> -> memref<128x64xf32, #tpu.memory_space<vmem>>
      %dma_wait3A_195 = arith.constant 0 : i32
      %dma_wait3A_196 = tpu.memref_slice %arg6[%dma_wait3A_195] : memref<25600xi32, #tpu.memory_space<vmem>> -> memref<128xi32, #tpu.memory_space<vmem>>
      %dma_wait3A_197 = arith.constant 0 : i32
      %dma_wait3A_198 = arith.constant 0 : i32
      %dma_wait3A_199 = tpu.memref_slice %arg2[%dma_wait3A_197, %dma_wait3A_198] : memref<2000000x64xf32, #tpu.memory_space<hbm>> -> memref<2000000x64xf32, #tpu.memory_space<hbm>>
      tpu.wait_indirect_dma semaphore(%arg15 : memref<!tpu.dma_semaphore, #tpu.memory_space<semaphore_mem>>) src(%dma_wait3A_199 : memref<2000000x64xf32, #tpu.memory_space<hbm>>) dst(%dma_wait3A_194 : memref<128x64xf32, #tpu.memory_space<vmem>>)
      %dma_wait3A_200 = arith.constant 128 : i32
      %dma_wait3A_201 = arith.constant 0 : i32
      %dma_wait3A_202 = tpu.memref_slice %arg10[%dma_wait3A_200, %dma_wait3A_201] : memref<256x64xf32, #tpu.memory_space<vmem>> -> memref<128x64xf32, #tpu.memory_space<vmem>>
      %dma_wait3A_203 = arith.constant 0 : i32
      %dma_wait3A_204 = tpu.memref_slice %arg6[%dma_wait3A_203] : memref<25600xi32, #tpu.memory_space<vmem>> -> memref<128xi32, #tpu.memory_space<vmem>>
      %dma_wait3A_205 = arith.constant 0 : i32
      %dma_wait3A_206 = arith.constant 0 : i32
      %dma_wait3A_207 = tpu.memref_slice %arg2[%dma_wait3A_205, %dma_wait3A_206] : memref<2000000x64xf32, #tpu.memory_space<hbm>> -> memref<2000000x64xf32, #tpu.memory_space<hbm>>
      tpu.wait_indirect_dma semaphore(%arg15 : memref<!tpu.dma_semaphore, #tpu.memory_space<semaphore_mem>>) src(%dma_wait3A_207 : memref<2000000x64xf32, #tpu.memory_space<hbm>>) dst(%dma_wait3A_202 : memref<128x64xf32, #tpu.memory_space<vmem>>)
      %mul3A_208 = arith.constant 256 : i32
      %mul3A_209 = arith.muli %add3A_191, %mul3A_208 : i32
      %add3A_210 = arith.addi %mul3A_2, %mul3A_209 : i32
      %rem3A_211 = arith.constant 200 : i32
      %rem3A_212 = arith.remsi %add3A_210, %rem3A_211 : i32
      %parallel_loop3A_213 = arith.constant 0 : i32
      %parallel_loop3A_214 = arith.constant 256 : i32
      %parallel_loop3A_215 = arith.constant 1 : i32
      scf.for %parallel_loop3A_236 = %parallel_loop3A_213 to %parallel_loop3A_214 step %parallel_loop3A_215  : i32 {
        %parallel_loop3A_237 = arith.addi %rem3A_212, %parallel_loop3A_236 : i32
        %parallel_loop3A_238 = arith.index_cast %parallel_loop3A_236 : i32 to index
        %parallel_loop3A_239 = arith.constant 0 : index
        %parallel_loop3A_240 = tpu.vector_load %arg10[%parallel_loop3A_238, %parallel_loop3A_239] {strides = array<i32>} : memref<256x64xf32, #tpu.memory_space<vmem>>, vector<1x16xf32>,
        %parallel_loop3A_241 = vector.shape_cast %parallel_loop3A_240 : vector<1x16xf32> to vector<16xf32>
        %parallel_loop3A_242 = arith.index_cast %parallel_loop3A_237 : i32 to index
        %parallel_loop3A_243 = arith.constant 0 : index
        %parallel_loop3A_244 = tpu.vector_load %arg11[%parallel_loop3A_242, %parallel_loop3A_243] {strides = array<i32>} : memref<456x64xf32, #tpu.memory_space<vmem>>, vector<1x16xf32>,
        %parallel_loop3A_245 = vector.shape_cast %parallel_loop3A_244 : vector<1x16xf32> to vector<16xf32>
        %parallel_loop3A_246 = arith.addf %parallel_loop3A_241, %parallel_loop3A_245 : vector<16xf32>
        %parallel_loop3A_247 = arith.index_cast %parallel_loop3A_236 : i32 to index
        %parallel_loop3A_248 = arith.constant 0 : index
        %parallel_loop3A_249 = tpu.vector_load %arg10[%parallel_loop3A_247, %parallel_loop3A_248] {strides = array<i32>} : memref<256x64xf32, #tpu.memory_space<vmem>>, vector<1x16xf32>,
        %parallel_loop3A_250 = vector.shape_cast %parallel_loop3A_249 : vector<1x16xf32> to vector<16xf32>
        %parallel_loop3A_251 = vector.shape_cast %parallel_loop3A_246 : vector<16xf32> to vector<1x16xf32>
        tpu.vector_store %arg10[%parallel_loop3A_247, %parallel_loop3A_248], %parallel_loop3A_251 {strides = array<i32>} : memref<256x64xf32, #tpu.memory_space<vmem>>, vector<1x16xf32>,
        %parallel_loop3A_252 = arith.index_cast %parallel_loop3A_236 : i32 to index
        %parallel_loop3A_253 = arith.constant 16 : index
        %parallel_loop3A_254 = tpu.vector_load %arg10[%parallel_loop3A_252, %parallel_loop3A_253] {strides = array<i32>} : memref<256x64xf32, #tpu.memory_space<vmem>>, vector<1x16xf32>,
        %parallel_loop3A_255 = vector.shape_cast %parallel_loop3A_254 : vector<1x16xf32> to vector<16xf32>
        %parallel_loop3A_256 = arith.index_cast %parallel_loop3A_237 : i32 to index
        %parallel_loop3A_257 = arith.constant 16 : index
        %parallel_loop3A_258 = tpu.vector_load %arg11[%parallel_loop3A_256, %parallel_loop3A_257] {strides = array<i32>} : memref<456x64xf32, #tpu.memory_space<vmem>>, vector<1x16xf32>,
        %parallel_loop3A_259 = vector.shape_cast %parallel_loop3A_258 : vector<1x16xf32> to vector<16xf32>
        %parallel_loop3A_260 = arith.addf %parallel_loop3A_255, %parallel_loop3A_259 : vector<16xf32>
        %parallel_loop3A_261 = arith.index_cast %parallel_loop3A_236 : i32 to index
        %parallel_loop3A_262 = arith.constant 16 : index
        %parallel_loop3A_263 = tpu.vector_load %arg10[%parallel_loop3A_261, %parallel_loop3A_262] {strides = array<i32>} : memref<256x64xf32, #tpu.memory_space<vmem>>, vector<1x16xf32>,
        %parallel_loop3A_264 = vector.shape_cast %parallel_loop3A_263 : vector<1x16xf32> to vector<16xf32>
        %parallel_loop3A_265 = vector.shape_cast %parallel_loop3A_260 : vector<16xf32> to vector<1x16xf32>
        tpu.vector_store %arg10[%parallel_loop3A_261, %parallel_loop3A_262], %parallel_loop3A_265 {strides = array<i32>} : memref<256x64xf32, #tpu.memory_space<vmem>>, vector<1x16xf32>,
        %parallel_loop3A_266 = arith.index_cast %parallel_loop3A_236 : i32 to index
        %parallel_loop3A_267 = arith.constant 32 : index
        %parallel_loop3A_268 = tpu.vector_load %arg10[%parallel_loop3A_266, %parallel_loop3A_267] {strides = array<i32>} : memref<256x64xf32, #tpu.memory_space<vmem>>, vector<1x16xf32>,
        %parallel_loop3A_269 = vector.shape_cast %parallel_loop3A_268 : vector<1x16xf32> to vector<16xf32>
        %parallel_loop3A_270 = arith.index_cast %parallel_loop3A_237 : i32 to index
        %parallel_loop3A_271 = arith.constant 32 : index
        %parallel_loop3A_272 = tpu.vector_load %arg11[%parallel_loop3A_270, %parallel_loop3A_271] {strides = array<i32>} : memref<456x64xf32, #tpu.memory_space<vmem>>, vector<1x16xf32>,
        %parallel_loop3A_273 = vector.shape_cast %parallel_loop3A_272 : vector<1x16xf32> to vector<16xf32>
        %parallel_loop3A_274 = arith.addf %parallel_loop3A_269, %parallel_loop3A_273 : vector<16xf32>
        %parallel_loop3A_275 = arith.index_cast %parallel_loop3A_236 : i32 to index
        %parallel_loop3A_276 = arith.constant 32 : index
        %parallel_loop3A_277 = tpu.vector_load %arg10[%parallel_loop3A_275, %parallel_loop3A_276] {strides = array<i32>} : memref<256x64xf32, #tpu.memory_space<vmem>>, vector<1x16xf32>,
        %parallel_loop3A_278 = vector.shape_cast %parallel_loop3A_277 : vector<1x16xf32> to vector<16xf32>
        %parallel_loop3A_279 = vector.shape_cast %parallel_loop3A_274 : vector<16xf32> to vector<1x16xf32>
        tpu.vector_store %arg10[%parallel_loop3A_275, %parallel_loop3A_276], %parallel_loop3A_279 {strides = array<i32>} : memref<256x64xf32, #tpu.memory_space<vmem>>, vector<1x16xf32>,
        %parallel_loop3A_280 = arith.index_cast %parallel_loop3A_236 : i32 to index
        %parallel_loop3A_281 = arith.constant 48 : index
        %parallel_loop3A_282 = tpu.vector_load %arg10[%parallel_loop3A_280, %parallel_loop3A_281] {strides = array<i32>} : memref<256x64xf32, #tpu.memory_space<vmem>>, vector<1x16xf32>,
        %parallel_loop3A_283 = vector.shape_cast %parallel_loop3A_282 : vector<1x16xf32> to vector<16xf32>
        %parallel_loop3A_284 = arith.index_cast %parallel_loop3A_237 : i32 to index
        %parallel_loop3A_285 = arith.constant 48 : index
        %parallel_loop3A_286 = tpu.vector_load %arg11[%parallel_loop3A_284, %parallel_loop3A_285] {strides = array<i32>} : memref<456x64xf32, #tpu.memory_space<vmem>>, vector<1x16xf32>,
        %parallel_loop3A_287 = vector.shape_cast %parallel_loop3A_286 : vector<1x16xf32> to vector<16xf32>
        %parallel_loop3A_288 = arith.addf %parallel_loop3A_283, %parallel_loop3A_287 : vector<16xf32>
        %parallel_loop3A_289 = arith.index_cast %parallel_loop3A_236 : i32 to index
        %parallel_loop3A_290 = arith.constant 48 : index
        %parallel_loop3A_291 = tpu.vector_load %arg10[%parallel_loop3A_289, %parallel_loop3A_290] {strides = array<i32>} : memref<256x64xf32, #tpu.memory_space<vmem>>, vector<1x16xf32>,
        %parallel_loop3A_292 = vector.shape_cast %parallel_loop3A_291 : vector<1x16xf32> to vector<16xf32>
        %parallel_loop3A_293 = vector.shape_cast %parallel_loop3A_288 : vector<16xf32> to vector<1x16xf32>
        tpu.vector_store %arg10[%parallel_loop3A_289, %parallel_loop3A_290], %parallel_loop3A_293 {strides = array<i32>} : memref<256x64xf32, #tpu.memory_space<vmem>>, vector<1x16xf32>,
      } {sc.loop_unroll_factor = 8 : i64, sc.parallel_access}
      %mul3A_216 = arith.constant 256 : i32
      %mul3A_217 = arith.muli %add3A_191, %mul3A_216 : i32
      %add3A_218 = arith.addi %mul3A_2, %mul3A_217 : i32
      %dma_start3A_219 = arith.constant 0 : i32
      %dma_start3A_220 = tpu.memref_slice %arg5[%add3A_218, %dma_start3A_219] : memref<819200x128xf32, #tpu.memory_space<hbm>> -> memref<256x64xf32, #tpu.memory_space<hbm>>
      %dma_start3A_221 = arith.constant 0 : i32
      %dma_start3A_222 = tpu.memref_slice %arg5[%add3A_218, %dma_start3A_221] : memref<819200x128xf32, #tpu.memory_space<hbm>> -> memref<256x64xf32, #tpu.memory_space<hbm>>
      tpu.enqueue_dma source(%arg10 : memref<256x64xf32, #tpu.memory_space<vmem>>) target(%dma_start3A_222 : memref<256x64xf32, #tpu.memory_space<hbm>>) target_semaphore(%arg19 : memref<!tpu.dma_semaphore, #tpu.memory_space<semaphore_mem>>)
      %ge3A_223 = arith.constant 2 : i32
      %ge3A_224 = arith.cmpi sge, %add3A_191, %ge3A_223 : i32
      %convert_element_type3A_225 = arith.extui %ge3A_224 : i1 to i32
      %cond3A_226 = arith.constant 0 : i32
      %cond3A_227 = arith.cmpi ne, %convert_element_type3A_225, %cond3A_226 : i32
      scf.if %cond3A_227 {
        %dma_wait3A_236 = arith.constant 0 : i32
        %dma_wait3A_237 = arith.constant 0 : i32
        %dma_wait3A_238 = tpu.memref_slice %arg5[%dma_wait3A_236, %dma_wait3A_237] : memref<819200x128xf32, #tpu.memory_space<hbm>> -> memref<256x64xf32, #tpu.memory_space<hbm>>
        %dma_wait3A_239 = arith.constant 0 : i32
        %dma_wait3A_240 = arith.constant 0 : i32
        %dma_wait3A_241 = tpu.memref_slice %arg5[%dma_wait3A_239, %dma_wait3A_240] : memref<819200x128xf32, #tpu.memory_space<hbm>> -> memref<256x64xf32, #tpu.memory_space<hbm>>
        tpu.wait_dma2 semaphore(%arg17 : memref<!tpu.dma_semaphore, #tpu.memory_space<semaphore_mem>>) src(%arg8 : memref<256x64xf32, #tpu.memory_space<vmem>>) dst(%dma_wait3A_241 : memref<256x64xf32, #tpu.memory_space<hbm>>)
      } else {
      }
      %add3A_228 = arith.constant 2 : i32
      %add3A_229 = arith.addi %add3A_191, %add3A_228 : i32
      %lt3A_230 = arith.constant 100 : i32
      %lt3A_231 = arith.cmpi slt, %add3A_229, %lt3A_230 : i32
      %convert_element_type3A_232 = arith.extui %lt3A_231 : i1 to i32
      %cond3A_233 = arith.constant 0 : i32
      %cond3A_234 = arith.cmpi ne, %convert_element_type3A_232, %cond3A_233 : i32
      scf.if %cond3A_234 {
        %add3A_236 = arith.constant 2 : i32
        %add3A_237 = arith.addi %add3A_191, %add3A_236 : i32
        %mul3A_238 = arith.constant 256 : i32
        %mul3A_239 = arith.muli %add3A_237, %mul3A_238 : i32
        %add3A_240 = arith.constant 0 : i32
        %add3A_241 = arith.addi %mul3A_239, %add3A_240 : i32
        %dma_start3A_242 = arith.constant 0 : i32
        %dma_start3A_243 = arith.constant 0 : i32
        %dma_start3A_244 = tpu.memref_slice %arg8[%dma_start3A_242, %dma_start3A_243] : memref<256x64xf32, #tpu.memory_space<vmem>> -> memref<128x64xf32, #tpu.memory_space<vmem>>
        %dma_start3A_245 = tpu.memref_slice %arg6[%add3A_241] : memref<25600xi32, #tpu.memory_space<vmem>> -> memref<128xi32, #tpu.memory_space<vmem>>
        %dma_start3A_246 = arith.constant 0 : i32
        %dma_start3A_247 = arith.constant 0 : i32
        %dma_start3A_248 = tpu.memref_slice %arg2[%dma_start3A_246, %dma_start3A_247] : memref<2000000x64xf32, #tpu.memory_space<hbm>> -> memref<2000000x64xf32, #tpu.memory_space<hbm>>
        tpu.enqueue_indirect_dma source(%dma_start3A_248 : memref<2000000x64xf32, #tpu.memory_space<hbm>>) target(%dma_start3A_244 : memref<128x64xf32, #tpu.memory_space<vmem>>) offsets(%dma_start3A_245 : memref<128xi32, #tpu.memory_space<vmem>>) semaphore(%arg13 : memref<!tpu.dma_semaphore, #tpu.memory_space<semaphore_mem>>)
        %mul3A_249 = arith.constant 256 : i32
        %mul3A_250 = arith.muli %add3A_237, %mul3A_249 : i32
        %add3A_251 = arith.constant 128 : i32
        %add3A_252 = arith.addi %mul3A_250, %add3A_251 : i32
        %dma_start3A_253 = arith.constant 128 : i32
        %dma_start3A_254 = arith.constant 0 : i32
        %dma_start3A_255 = tpu.memref_slice %arg8[%dma_start3A_253, %dma_start3A_254] : memref<256x64xf32, #tpu.memory_space<vmem>> -> memref<128x64xf32, #tpu.memory_space<vmem>>
        %dma_start3A_256 = tpu.memref_slice %arg6[%add3A_252] : memref<25600xi32, #tpu.memory_space<vmem>> -> memref<128xi32, #tpu.memory_space<vmem>>
        %dma_start3A_257 = arith.constant 0 : i32
        %dma_start3A_258 = arith.constant 0 : i32
        %dma_start3A_259 = tpu.memref_slice %arg2[%dma_start3A_257, %dma_start3A_258] : memref<2000000x64xf32, #tpu.memory_space<hbm>> -> memref<2000000x64xf32, #tpu.memory_space<hbm>>
        tpu.enqueue_indirect_dma source(%dma_start3A_259 : memref<2000000x64xf32, #tpu.memory_space<hbm>>) target(%dma_start3A_255 : memref<128x64xf32, #tpu.memory_space<vmem>>) offsets(%dma_start3A_256 : memref<128xi32, #tpu.memory_space<vmem>>) semaphore(%arg13 : memref<!tpu.dma_semaphore, #tpu.memory_space<semaphore_mem>>)
      } else {
      }
      %scan3A_235 = arith.constant 0 : i32
      scf.yield %scan3A_235 : i32
    }
    %scan3A_39 = arith.constant 25 : i32
    %dma_wait3A = arith.constant 0 : i32
    %dma_wait3A_40 = arith.constant 0 : i32
    %dma_wait3A_41 = tpu.memref_slice %arg5[%dma_wait3A, %dma_wait3A_40] : memref<819200x128xf32, #tpu.memory_space<hbm>> -> memref<256x64xf32, #tpu.memory_space<hbm>>
    %dma_wait3A_42 = arith.constant 0 : i32
    %dma_wait3A_43 = arith.constant 0 : i32
    %dma_wait3A_44 = tpu.memref_slice %arg5[%dma_wait3A_42, %dma_wait3A_43] : memref<819200x128xf32, #tpu.memory_space<hbm>> -> memref<256x64xf32, #tpu.memory_space<hbm>>
    tpu.wait_dma2 semaphore(%arg18 : memref<!tpu.dma_semaphore, #tpu.memory_space<semaphore_mem>>) src(%arg9 : memref<256x64xf32, #tpu.memory_space<vmem>>) dst(%dma_wait3A_44 : memref<256x64xf32, #tpu.memory_space<hbm>>)
    %dma_wait3A_45 = arith.constant 0 : i32
    %dma_wait3A_46 = arith.constant 0 : i32
    %dma_wait3A_47 = tpu.memref_slice %arg5[%dma_wait3A_45, %dma_wait3A_46] : memref<819200x128xf32, #tpu.memory_space<hbm>> -> memref<256x64xf32, #tpu.memory_space<hbm>>
    %dma_wait3A_48 = arith.constant 0 : i32
    %dma_wait3A_49 = arith.constant 0 : i32
    %dma_wait3A_50 = tpu.memref_slice %arg5[%dma_wait3A_48, %dma_wait3A_49] : memref<819200x128xf32, #tpu.memory_space<hbm>> -> memref<256x64xf32, #tpu.memory_space<hbm>>
    tpu.wait_dma2 semaphore(%arg19 : memref<!tpu.dma_semaphore, #tpu.memory_space<semaphore_mem>>) src(%arg10 : memref<256x64xf32, #tpu.memory_space<vmem>>) dst(%dma_wait3A_50 : memref<256x64xf32, #tpu.memory_space<hbm>>)
    return
  }
}

</mosaic_0001>

<sc_bundles>
// kernel: _emb_call.3.cloned.1.call-start
scs
__scs_entry_jumppad:
0x0: {  	(pc) =	sbr.rel $0x88, $3  }
0x1: {  	(tag) =	ssettag $0x0;
	lr =	simm.s32 $0x1  }
0x2: {  	[smem:$0x3F9E] =	sst lr;
	_ =	strace $0xD0000000  }
0x3: {  	_ = 	snop  }
0x4: {  	_ = 	snop  }
0x5: {  	_ = 	snop  }
0x6: {  	_ = 	snop  }
0x7: {  	_ = 	snop  }
__scs_overlays_trampoline_lowered:
0x8: {  	[smem:$0x3FAD] =	sst s0  }
0x9: {  	[smem:$0x3FAE] =	sst s1  }
0xa: {  	[smem:$0x3FAF] =	sst s2  }
0xb: {  	[smem:$0x3FB0] =	sst s3  }
0xc: {  	[smem:$0x3FB1] =	sst s4  }
0xd: {  	[smem:$0x3FB2] =	sst s5  }
0xe: {  	[smem:$0x3FB3] =	sst s6  }
0xf: {  	[smem:$0x3FB4] =	sst s7  }
0x10: {  	[smem:$0x3FB5] =	sst s8  }
0x11: {  	[smem:$0x3FB6] =	sst s9;
	s0 =	simm.s32 @!p0 $0x0  }
0x12: {  	s1 =	sld [smem:$0x3F9C];
	s0 =	simm.s32 @p0 $0x1  }
0x13: {  	[smem:$0x3FB7] =	sst s0;
	s0 =	simm.s32 @!p1 $0x0  }
0x14: {  	s2 =	sld [smem:$0x3F9B];
	s0 =	simm.s32 @p1 $0x1  }
0x15: {  	[smem:$0x3FB8] =	sst s0;
	s0 =	simm.s32 @!p2 $0x0  }
0x16: {  	s3 =	sld [smem:$0x3FDB];
	s0 =	simm.s32 @p2 $0x1  }
0x17: {  	s4 =	simm.s32 $0x1BF5;
	[smem:$0x3FBA] =	sst s0  }
0x18: {  	s0 =	sld [smem:$0x3F9D];
	_ =	swait.ge [sflag:s4], $0x0  }
0x19: {  	s7 =	sld [smem:$0x3F9E]  }
0x1a: {  	s8 =	sadd.s32 $0xFFFFE003, lr  }
0x1b: {  	s9 =	sadd.s32 $0xFFFFFEF7, lr;
	s5 =	simm.s32 $0xFFFFFFFF;
	p2 =	slt.u32 s8, $0xFFFFF086  }
0x1c: {  	p1 =	slt.u32 s9, $0xF7A;
	s5 =	simm.s32 @!p2 $0x0  }
0x1d: {  	s5 =	simm.s32 @p1 $0x1;
	p0 =	seq.s32 s7, s2  }
0x1e: {  	s7 =	smul.u32 @!p0 $0xF7A, s2;
	p2 =	seq.s32 @!p0 s5, $0x0  }
0x1f: {  	s9 =	smul.u32 $0xF7A, s1;
	s8 =	simm.s32 @!p0 $0x1BF5;
	p2 =	por !p2, p0  }
0x20: {  	[sflag:s8] =	ssyncset.s32 @!p0 $0xFFFFF086;
	s6 =	sadd.s32 @!p0 s3, s7;
	s7 =	simm.s32 @!p0 $0x108  }
0x21: {  	s3 =	sadd.s32 s3, s9;
	s6 =	sadd.s32 @!p0 $0x88, s6;
	s7 =	simm.s32 @p2 $0x1082  }
0x22: {  	[simem:s7], [sflag:s8] =	dma.local @!p0 [hbm:s6], $0xF7A  }
0x23: {  	s9 =	sor.u32 $0xD0000000, s2;
	s6 =	simm.s32 $0x108;
	_ =	swait.ge @!p0 [sflag:s8], $0x0  }
0x24: {  	s3 =	sadd.s32 $0x88, s3;
	s6 =	simm.s32 @!p1 $0x1082;
	[sflag:s4] =	ssyncset.s32 $0xFFFFF086  }
0x25: {  	[simem:s6], [sflag:s4] =	dma.local [hbm:s3], $0xF7A  }
0x26: {  	[smem:$0x3F9E] =	sst s1;
	(tag) =	ssettag s2;
	_ =	strace s9  }
0x27: {  	s1 =	sld [smem:$0x3FAE]  }
0x28: {  	s2 =	sld [smem:$0x3FAF]  }
0x29: {  	s4 =	sld [smem:$0x3FB1]  }
0x2a: {  	p0 =	seq.s32 s5, $0x0;
	s5 =	sld [smem:$0x3FB2]  }
0x2b: {  	s6 =	sld [smem:$0x3FB3]  }
0x2c: {  	s7 =	sld [smem:$0x3FB4]  }
0x2d: {  	s3 =	simm.s32 $0x108;
	s8 =	sld [smem:$0x3FB5]  }
0x2e: {  	s3 =	simm.s32 @!p0 $0x1082;
	s9 =	sld [smem:$0x3FB6]  }
0x2f: {  	lr =	sadd.s32 s0, s3;
	s0 =	sld [smem:$0x3FAD]  }
0x30: {  	s3 =	sld [smem:$0x3FB0]  }
0x31: {  	[smem:$0x3FB9] =	sst s10  }
0x32: {  	s10 =	sld [smem:$0x3FB7];
	_ =	sdelay $0x3  }
0x33: {  	p0 =	seq.s32 s10, $0x1;
	s10 =	sld [smem:$0x3FB9];
	_ =	sdelay $0x3  }
0x34: {  	[smem:$0x3FB9] =	sst s10  }
0x35: {  	s10 =	sld [smem:$0x3FB8];
	_ =	sdelay $0x3  }
0x36: {  	p1 =	seq.s32 s10, $0x1;
	s10 =	sld [smem:$0x3FB9];
	_ =	sdelay $0x3  }
0x37: {  	[smem:$0x3FB9] =	sst s10  }
0x38: {  	s10 =	sld [smem:$0x3FBA]  }
0x39: {  	_ = 	snop;
	(pc) =	sbr.ind lr, $3  }
0x3a: {  	_ = 	snop  }
0x3b: {  	_ = 	snop  }
0x3c: {  	p2 =	seq.s32 s10, $0x1;
	s10 =	sld [smem:$0x3FB9]  }
0x3d: {  	_ =	shalt  }
0x3e: {  	_ =	shalt  }
0x3f: {  	_ =	shalt  }
0x40: {  	_ =	shalt  }
0x41: {  	_ =	shalt  }
0x42: {  	_ =	shalt  }
0x43: {  	_ =	shalt  }
0x44: {  	_ =	shalt  }
0x45: {  	_ =	shalt  }
0x46: {  	_ =	shalt  }
0x47: {  	_ =	shalt  }
0x48: {  	_ =	shalt  }
0x49: {  	_ =	shalt  }
0x4a: {  	_ =	shalt  }
0x4b: {  	_ =	shalt  }
0x4c: {  	_ =	shalt  }
0x4d: {  	_ =	shalt  }
0x4e: {  	_ =	shalt  }
0x4f: {  	_ =	shalt  }
0x50: {  	_ =	shalt  }
0x51: {  	_ =	shalt  }
0x52: {  	_ =	shalt  }
0x53: {  	_ =	shalt  }
0x54: {  	_ =	shalt  }
0x55: {  	_ =	shalt  }
0x56: {  	_ =	shalt  }
0x57: {  	_ =	shalt  }
0x58: {  	_ =	shalt  }
0x59: {  	_ =	shalt  }
0x5a: {  	_ =	shalt  }
0x5b: {  	_ =	shalt  }
0x5c: {  	_ =	shalt  }
0x5d: {  	_ =	shalt  }
0x5e: {  	_ =	shalt  }
0x5f: {  	_ =	shalt  }
0x60: {  	_ =	shalt  }
0x61: {  	_ =	shalt  }
0x62: {  	_ =	shalt  }
0x63: {  	_ =	shalt  }
0x64: {  	_ =	shalt  }
0x65: {  	_ =	shalt  }
0x66: {  	_ =	shalt  }
0x67: {  	_ =	shalt  }
0x68: {  	_ =	shalt  }
0x69: {  	_ =	shalt  }
0x6a: {  	_ =	shalt  }
0x6b: {  	_ =	shalt  }
0x6c: {  	_ =	shalt  }
0x6d: {  	_ =	shalt  }
0x6e: {  	_ =	shalt  }
0x6f: {  	_ =	shalt  }
0x70: {  	_ =	shalt  }
0x71: {  	_ =	shalt  }
0x72: {  	_ =	shalt  }
0x73: {  	_ =	shalt  }
0x74: {  	_ =	shalt  }
0x75: {  	_ =	shalt  }
0x76: {  	_ =	shalt  }
0x77: {  	_ =	shalt  }
0x78: {  	_ =	shalt  }
0x79: {  	_ =	shalt  }
0x7a: {  	_ =	shalt  }
0x7b: {  	_ =	shalt  }
0x7c: {  	_ =	shalt  }
0x7d: {  	_ =	shalt  }
0x7e: {  	_ =	shalt  }
0x7f: {  	_ =	shalt  }
0x80: {  	_ =	shalt  }
0x81: {  	_ =	shalt  }
0x82: {  	_ =	shalt  }
0x83: {  	_ =	shalt  }
0x84: {  	_ =	shalt  }
0x85: {  	_ =	shalt  }
0x86: {  	_ =	shalt  }
0x87: {  	_ =	shalt  }
.Lfunc_end0:
.L_simem_size_0:
called_computation_lowered:
.L_overlay_start_0:
0x88: {  	s2 =	sld [smem:$0x3FD9]  }
0x89: {  	s3 =	sld [smem:$0x3FFE];
	_ =	sdelay $0x1  }
0x8a: {  	s1 =	srdreg.scid  }
0x8b: {  	s0 =	sand.u32 $0x1, s1  }
0x8c: {  	s17 =	sshll.u32 s0, $0xA;
	s2 =	sadd.s32 s3, s2  }
0x8d: {  	s2 =	sadd.s32 s2, s17  }
0x8e: {  	[smem:$0x3FC5] =	sst s2  }
0x8f: {  	_ = 	snop  }
0x90: {  	s2 =	sld [smem:$0x3FC8]  }
0x91: {  	s18 =	sld [smem:$0x3FD0];
	(tm) =	ssettm $0x1  }
0x92: {  	s4 =	sld [smem:$0x3FFB];
	_ =	sdelay $0x3  }
0x93: {  	_ =	strace s4  }
0x94: {  	s4 =	sld [smem:$0x3FFC];
	_ =	sdelay $0x3  }
0x95: {  	_ =	strace s4  }
0x96: {  	s4 =	sld [smem:$0x3FFD];
	_ =	sdelay $0x3  }
0x97: {  	_ =	strace s4  }
0x98: {  	_ =	strace $0x8FFFFFFF  }
0x99: {  	s19 =	sld [smem:$0x3FDB];
	_ =	sdelay $0x1  }
0x9a: {  	s5 =	simm.s32 $_scs_section_size  }
0x9b: {  	s6 =	simm.s32 $_size__tile_overlayer_lowered;
	s7 =	simm.s32 $_tile_overlayer_lowered  }
0x9c: {  	s22 =	simm.s32 $0x1BFF;
	s21 =	sshll.u32 s7, $0x1;
	s4 =	sadd.s32 s5, s19  }
0x9d: {  	s8 =	simm.s32 $0x0;
	s20 =	sshll.u32 s6, $0x1;
	s6 =	sadd.s32 s21, s4  }
0x9e: {  	[timem:s8], [sflag:s22] =	dma.local [hbm:s6], s20  }
0x9f: {  	_ =	swait.ge [sflag:s22], s20  }
0xa0: {  	s5 =	ssub.s32 $0x0, s20;
	[sflag:s22] =	ssyncset.done $0x0  }
0xa1: {  	[sflag:s22] =	ssyncadd.s32 s5;
	_ =	sdelay $0x1  }
0xa2: {  	s23 =	simm.s32 $0x1B8B  }
0xa3: {  	_ =	swait.ge [sflag:s23], $0x1  }
0xa4: {  	[sflag:s23] =	ssyncset.done $0x0  }
0xa5: {  	s25 =	simm.s32 $0x1B8E;
	s24 =	sld [smem:$0x3FFE];
	[sflag:s23] =	ssyncadd.s32 $0xFFFFFFFF  }
0xa6: {  	s26 =	simm.s32 $execute0_lowered;
	[smem:$0x3FD2] =	sst s25  }
0xa7: {  	s6 =	sshll.u32 s26, $0x1;
	_ =	strace $0x80000046;
	[dreg:$0x1] =	wrdreg $0xFFFFFFFF  }
0xa8: {  	s28 =	simm.s32 $_size_execute0_lowered;
	s4 =	sadd.s32 s4, s6;
	[dreg:$0x0] =	wrdreg $0x0  }
0xa9: {  	s6 =	sshll.u32 s28, $0x1;
	[dreg:$0x2] =	wrdreg s4  }
0xaa: {  	[dreg:$0x3] =	wrdreg s6  }
0xab: {  	[dreg:$0x4] =	wrdreg $0xC0  }
0xac: {  	_ =	task [dreg:s8], $0x5FFFF  }
0xad: {  	[dreg:$0x1] =	wrdreg $0xFFFFFFFF  }
0xae: {  	[dreg:$0x0] =	wrdreg $0x60  }
0xaf: {  	[dreg:$0x2] =	wrdreg s24  }
0xb0: {  	[dreg:$0x3] =	wrdreg s2  }
0xb1: {  	[dreg:$0x4] =	wrdreg s18  }
0xb2: {  	[dreg:$0x5] =	wrdreg $0x9  }
0xb3: {  	_ =	task.clear_ibuf [dreg:s8], $0x6FFFF;
	_ =	strace $0x90000046  }
0xb4: {  	s29 =	simm.s32 $0x9;
	_ =	strace $0x80000048  }
0xb5: {  	_ =	swait.ge [sflag:s29], $0x1  }
0xb6: {  	[sflag:s29] =	ssyncadd.s32 $0xFFFFFFFF  }
0xb7: {  	_ =	strace $0x90000048  }
0xb8: {  	_ =	sfence  }
0xb9: {  	s30 =	sld [smem:$0x0];
	_ =	sdelay $0x2  }
0xba: {  	s31 =	sshll.u32 s1, $0xD;
	s1 =	sshrl.u32 s1, $0x2  }
0xbb: {  	s3 =	sand.u32 $0x4000, s31;
	s1 =	sadd.s32 s1, s30  }
0xbc: {  	s0 =	sor.u32 s3, s0;
	s1 =	sshll.u32 s1, $0x11  }
0xbd: {  	s0 =	sor.u32 s1, s0  }
0xbe: {  	s0 =	sadd.s32 $0x8F2B, s0  }
0xbf: {  	[sflag:s0] =	ssyncadd.remote.s32 $0x1  }
0xc0: {  	_ =	sfence.sel $0xFFFF  }
0xc1: {  	[dreg:$0x0] =	wrdreg $0xFFFFFFFF;
	(pc) =	sbr.abs _section_cstart, $3  }
0xc2: {  	[dreg:$0x1] =	wrdreg $0xFFFFFFFF  }
0xc3: {  	_ =	task.clear_ibuf [dreg:s8], $0x2FFFF;
	_ =	strace $0x9FFFFFFF  }
0xc4: {  	(tm) =	ssettm $0x7FFFFFFF  }
0xc5: {  	_ =	shalt  }
tec
execute0_lowered:
.L_overlay_start_1:
0x0: {  	(tag) =	ssettag $0x1  }
0x1: {  	s0 =	rddreg [dreg:$0x0]  }
0x2: {  	s2 =	rddreg [dreg:$0x1]  }
0x3: {  	s1 =	rddreg [dreg:$0x2]  }
0x4: {  	s3 =	simm.s32 $0x0;
	s18 =	srdreg.scid;
	s10 =	stileid.u32  }
0x5: {  	s17 =	simm.s32 $0x80;
	s29 =	simm.s32 $0x2;
	s30 =	simm.s32 $0x12400  }
0x6: {  	s16 =	simm.s32 $0x4;
	[smem:$0x7FF] =	sst s3;
	s4 =	sadd.s32 $0x1E84E00, s0  }
0x7: {  	s3 =	sand.u32 $0x1, s18;
	s5 =	sshll.u32 s10, $0x1;
	s7 =	smul.u32 $0xC80000, s10  }
0x8: {  	s0 =	sadd.s32 $0x600, s0;
	s21 =	smul.u32 $0xC800, s10;
	s18 =	simm.s32 $0x6400  }
0x9: {  	_ =	strace $0x80000047;
	s8 =	ssub.s32 $0x2, s3;
	s9 =	smul.u32 $0x640000, s3  }
0xa: {  	s5 =	sor.u32 s3, s5;
	s3 =	smul.u32 $0x6400, s3;
	s19 =	sshrl.u32 s8, $0x1  }
0xb: {  	[dreg:$0x4] =	wrdreg s0;
	s6 =	smul.u32 $0x6400, s5;
	s0 =	ssub.s32 s8, s19  }
0xc: {  	s20 =	sadd.s32 s9, s7;
	s24 =	sadd.s32 s3, s21;
	s21 =	simm.s32 $0xA400  }
0xd: {  	s3 =	simm.s32 $0x5;
	s19 =	simm.s32 $0x6;
	s7 =	simm.s32 $0x0  }
0xe: {  	s22 =	sshrl.u32 s6, $0x3;
	s0 =	smax.u32 s0, $0x1;
	[dreg:$0x8] =	wrdreg s24  }
0xf: {  	s9 =	sor.u32 $0x7C0, s20;
	s26 =	sor.u32 $0x100, s24;
	[dreg:$0x6] =	wrdreg s0  }
0x10: {  	s25 =	sshrl.u32 s20, $0x2;
	s28 =	sor.u32 $0x200, s24;
	[dreg:$0xa] =	wrdreg s26  }
.Ltmp0:
0x11: {  	s31 =	sor.u32 $0x300, s24;
	[dreg:$0xb] =	wrdreg s28;
	(pc) =	sbr.rel .LBB2_1-.Ltmp0, $4  }
0x12: {  	s2 =	sadd.s32 s2, s22;
	s23 =	sshrl.u32 s9, $0x2;
	[dreg:$0xc] =	wrdreg s31  }
0x13: {  	s24 =	simm.s32 $0x1;
	[dreg:$0x5] =	wrdreg s2;
	s0 =	sadd.s32 $0x16400, s23  }
0x14: {  	s26 =	simm.s32 $0xE400;
	[dreg:$0x7] =	wrdreg s0;
	s0 =	sadd.s32 $0x16400, s25  }
0x15: {  	s25 =	simm.s32 $0x40;
	[dreg:$0x9] =	wrdreg s0;
	s0 =	simm.s32 $0x3  }
.LBB2_12:
0x16: {  	s2 =	simm.s32 $0x7  }
0x17: {  	_ =	swait.ge [sflag:s2], $0x4000  }
0x18: {  	[sflag:s2] =	ssyncset.done $0x0  }
0x19: {  	s5 =	simm.s32 $0x8;
	[sflag:s2] =	ssyncadd.s32 $0xFFFFC000  }
0x1a: {  	_ =	swait.ge [sflag:s5], $0x4000  }
0x1b: {  	s7 =	rddreg [dreg:$0xd]  }
0x1c: {  	s31 =	rddreg [dreg:$0x6];
	s7 =	sadd.s32 $0x1, s7  }
0x1d: {  	p0 =	sne.s32 s7, s31  }
.Ltmp1:
0x1e: {  	_ = 	snop;
	(pc) =	sbr.rel @!p0 .LBB2_13-.Ltmp1, $3  }
0x1f: {  	_ =	sdelay $0x1  }
0x20: {  	[sflag:s5] =	ssyncset.done $0x0  }
0x21: {  	[sflag:s5] =	ssyncadd.s32 $0xFFFFC000  }
.LBB2_1:
0x22: {  	[dreg:$0xd] =	wrdreg s7  }
0x23: {  	s2 =	simm.s32 $0x0;
	s5 =	rddreg [dreg:$0x5];
	s15 =	simm.s32 $0x9  }
0x24: {  	[tilespmem:s2], [sflag:$0x9] =	stream.linear.gather [hbm4b:s5+s2], $0x6400, $0x38;
	[tilespmem:$0x1D600] =	vst v63  }
0x25: {  	_ =	swait.ge [sflag:s15], $0x6400  }
0x26: {  	[sflag:s15] =	ssyncset.done $0x0  }
0x27: {  	s8 =	simm.s32 $0x16400;
	s20 =	rddreg [dreg:$0x4];
	[sflag:s15] =	ssyncadd.s32 $0xFFFF9C00  }
0x28: {  	[tilespmem:s8], [sflag:$0x9] =	stream.linear.gather [hbm4b:s20+s2], $0x7200, $0x38;
	[tilespmem:$0x1D600] =	vst v63  }
0x29: {  	_ =	swait.ge [sflag:s15], $0x7200  }
0x2a: {  	s14 =	rddreg [dreg:$0xc]  }
0x2b: {  	[sflag:s15] =	ssyncset.done $0x0;
	s13 =	rddreg [dreg:$0xb]  }
0x2c: {  	s12 =	rddreg [dreg:$0xa];
	[sflag:s15] =	ssyncadd.s32 $0xFFFF8E00  }
0x2d: {  	[tilespmem:s18], [sflag:$0x1] =	stream.indirect.gather [hbm4b:s4+s17], $0x40, s2, s17, $0xb8;
	[tilespmem:$0x1D600] =	vst v63  }
0x2e: {  	s22 =	simm.s32 $0x8400;
	s11 =	rddreg [dreg:$0x9]  }
0x2f: {  	[tilespmem:s22], [sflag:$0x1] =	stream.indirect.gather [hbm4b:s4+s17], $0x40, s17, s17, $0xb8;
	[tilespmem:$0x1D600] =	vst v63  }
0x30: {  	s23 =	simm.s32 $0x100;
	s28 =	simm.s32 $0x180;
	s10 =	rddreg [dreg:$0x8]  }
0x31: {  	[tilespmem:s21], [sflag:$0x2] =	stream.indirect.gather [hbm4b:s4+s17], $0x40, s23, s17, $0xb8;
	[tilespmem:$0x1D600] =	vst v63  }
0x32: {  	s31 =	simm.s32 $0xC400;
	s7 =	simm.s32 $0x0;
	s8 =	rddreg [dreg:$0x7]  }
0x33: {  	[tilespmem:s31], [sflag:$0x2] =	stream.indirect.gather [hbm4b:s4+s17], $0x40, s28, s17, $0xb8;
	[tilespmem:$0x1D600] =	vst v63  }
.LBB2_2:
0x34: {  	_ =	swait.ge [sflag:s24], $0x2000  }
0x35: {  	[sflag:s24] =	ssyncset.done $0x0  }
0x36: {  	[sflag:s24] =	ssyncadd.s32 $0xFFFFE000  }
0x37: {  	_ =	swait.ge [sflag:s24], $0x2000  }
0x38: {  	[sflag:s24] =	ssyncset.done $0x0  }
0x39: {  	s15 =	simm.s32 $0x6500;
	[sflag:s24] =	ssyncadd.s32 $0xFFFFE000  }
0x3a: {  	v0 =	vld [tilespmem:s15+$0xC0]  }
0x3b: {  	v3 =	vld [tilespmem:s15+$0xFFFFFF40]  }
0x3c: {  	v4 =	vld [tilespmem:s15+$0xFFFFFF80]  }
0x3d: {  	s2 =	smulhi.u32 $0x51EB851F, s10;
	v7 =	vld [tilespmem:s15+$0xFFFFFFC0]  }
0x3e: {  	v9 =	vld [tilespmem:s15+$0x0]  }
0x3f: {  	s2 =	sshrl.u32 s2, $0x6;
	v60 =	vld [tilespmem:s15+$0xFFFFFFD0]  }
0x40: {  	s2 =	smul.u32 $0xFFFF3800, s2;
	v13 =	vld [tilespmem:s15+$0x10]  }
0x41: {  	v61 =	vld [tilespmem:s15+$0xFFFFFFE0]  }
0x42: {  	s2 =	sshra.s32 s2, $0x2;
	v62 =	vld [tilespmem:s15+$0x60]  }
0x43: {  	s22 =	sadd.s32 s2, s8;
	v63 =	vld [tilespmem:s15+$0xFFFFFF30]  }
0x44: {  	v1 =	vld [tilespmem:s22+$0xFFFFFFD0]  }
0x45: {  	v2 =	vld [tilespmem:s22+$0xFFFFFE10]  }
0x46: {  	v6 =	vld [tilespmem:s22+$0xFFFFFE90]  }
0x47: {  	v8 =	vld [tilespmem:s22+$0xFFFFFED0]  }
0x48: {  	v10 =	vld [tilespmem:s22+$0xFFFFFF10]  }
0x49: {  	v11 =	vld [tilespmem:s22+$0xFFFFFF50];
	v0 =	vadd.f32 v1, v0  }
0x4a: {  	v1 =	vld [tilespmem:s22+$0xFFFFFE50]  }
0x4b: {  	v4 =	vadd.f32 v6, v4;
	[tilespmem:s15+$0xC0] =	vst v0;
	v0 =	vld [tilespmem:s15+$0xD0]  }
0x4c: {  	v5 =	vld [tilespmem:s22+$0xFFFFFFE0]  }
0x4d: {  	v6 =	vld [tilespmem:s22+$0xFFFFFF90];
	[tilespmem:s15+$0xFFFFFF80] =	vst v4;
	v4 =	vadd.f32 v10, v9  }
0x4e: {  	v10 =	vld [tilespmem:s15+$0xFFFFFF50]  }
0x4f: {  	[tilespmem:s15+$0x0] =	vst v4;
	v1 =	vadd.f32 v1, v3;
	v3 =	vld [tilespmem:s15+$0x80]  }
0x50: {  	v9 =	vld [tilespmem:s22+$0xFFFFFF20]  }
0x51: {  	[tilespmem:s15+$0xFFFFFF40] =	vst v1;
	v0 =	vadd.f32 v5, v0;
	v5 =	vld [tilespmem:s15+$0x40]  }
0x52: {  	v1 =	vadd.f32 v8, v7;
	v8 =	vld [tilespmem:s22+$0xFFFFFE60]  }
0x53: {  	[tilespmem:s15+$0xD0] =	vst v0;
	v0 =	vld [tilespmem:s15+$0xE0]  }
0x54: {  	v12 =	vld [tilespmem:s22+$0xFFFFFFF0]  }
0x55: {  	v7 =	vld [tilespmem:s15+$0xFFFFFF00]  }
0x56: {  	[tilespmem:s15+$0xFFFFFFC0] =	vst v1;
	v1 =	vld [tilespmem:s22+$0xFFFFFEA0]  }
0x57: {  	v4 =	vld [tilespmem:s22+$0xFFFFFEE0];
	v8 =	vadd.f32 v8, v10  }
0x58: {  	v5 =	vadd.f32 v11, v5;
	v11 =	vld [tilespmem:s15+$0xFFFFFF90]  }
0x59: {  	v10 =	vld [tilespmem:s15+$0x90];
	[tilespmem:s15+$0xFFFFFF50] =	vst v8;
	v0 =	vadd.f32 v12, v0  }
0x5a: {  	v8 =	vld [tilespmem:s22+$0xFFFFFE70]  }
0x5b: {  	[tilespmem:s15+$0xE0] =	vst v0;
	v0 =	vadd.f32 v2, v7;
	v7 =	vld [tilespmem:s15+$0xF0]  }
0x5c: {  	[tilespmem:s15+$0x40] =	vst v5;
	v2 =	vadd.f32 v6, v3;
	v5 =	vld [tilespmem:s22+$0x0]  }
0x5d: {  	v1 =	vadd.f32 v1, v11;
	[tilespmem:s15+$0xFFFFFF00] =	vst v0;
	v0 =	vld [tilespmem:s22+$0xFFFFFF60]  }
0x5e: {  	[tilespmem:s15+$0x80] =	vst v2;
	v2 =	vld [tilespmem:s15+$0xFFFFFF10]  }
0x5f: {  	[tilespmem:s15+$0xFFFFFF90] =	vst v1;
	v1 =	vadd.f32 v9, v13;
	v3 =	vld [tilespmem:s22+$0xFFFFFE20]  }
0x60: {  	v4 =	vadd.f32 v4, v60;
	v6 =	vld [tilespmem:s22+$0xFFFFFFA0]  }
0x61: {  	v9 =	vld [tilespmem:s22+$0xFFFFFEB0];
	[tilespmem:s15+$0x10] =	vst v1  }
0x62: {  	[tilespmem:s15+$0xFFFFFFD0] =	vst v4;
	v4 =	vld [tilespmem:s22+$0xFFFFFF30]  }
0x63: {  	v7 =	vadd.f32 v5, v7;
	v5 =	vld [tilespmem:s15+$0xFFFFFFF0]  }
0x64: {  	v2 =	vadd.f32 v3, v2;
	v3 =	vld [tilespmem:s15+$0x50]  }
0x65: {  	[tilespmem:s15+$0xF0] =	vst v7;
	v7 =	vld [tilespmem:s15+$0x70]  }
0x66: {  	v1 =	vadd.f32 v6, v10;
	[tilespmem:s15+$0xFFFFFF10] =	vst v2;
	v2 =	vld [tilespmem:s15+$0xFFFFFF20]  }
0x67: {  	v11 =	vld [tilespmem:s22+$0xFFFFFE30]  }
0x68: {  	[tilespmem:s15+$0x90] =	vst v1;
	v1 =	vld [tilespmem:s15+$0xFFFFFFA0]  }
0x69: {  	v0 =	vadd.f32 v0, v3;
	v3 =	vld [tilespmem:s22+$0xFFFFFEF0]  }
0x6a: {  	v10 =	vld [tilespmem:s22+$0xFFFFFFB0]  }
0x6b: {  	[tilespmem:s15+$0x50] =	vst v0;
	v0 =	vld [tilespmem:s15+$0xFFFFFF60]  }
0x6c: {  	v6 =	vld [tilespmem:s22+$0xFFFFFF70];
	v2 =	vadd.f32 v11, v2  }
0x6d: {  	v11 =	vld [tilespmem:s15+$0x20]  }
0x6e: {  	[tilespmem:s15+$0xFFFFFF20] =	vst v2;
	v2 =	vld [tilespmem:s15+$0xA0];
	v3 =	vadd.f32 v3, v61  }
0x6f: {  	v1 =	vadd.f32 v9, v1;
	v9 =	vld [tilespmem:s22+$0xFFFFFE40]  }
0x70: {  	v0 =	vadd.f32 v8, v0;
	[tilespmem:s15+$0xFFFFFFE0] =	vst v3;
	v8 =	vld [tilespmem:s15+$0xFFFFFFB0]  }
0x71: {  	s5 =	smulhi.u32 $0x51EB851F, s13;
	[tilespmem:s15+$0xFFFFFFA0] =	vst v1;
	v1 =	vld [tilespmem:s22+$0xFFFFFF00]  }
0x72: {  	s9 =	smulhi.u32 $0x51EB851F, s12;
	v4 =	vadd.f32 v4, v11;
	v3 =	vadd.f32 v6, v62;
	v6 =	vld [tilespmem:s15+$0x30];
	[tilespmem:s15+$0xFFFFFF60] =	vst v0  }
0x73: {  	s23 =	smulhi.u32 $0x51EB851F, s14;
	s5 =	sshrl.u32 s5, $0x6;
	v14 =	vld [tilespmem:s22+$0xFFFFFE80]  }
0x74: {  	s9 =	sshrl.u32 s9, $0x6;
	s5 =	smul.u32 $0xFFFF3800, s5;
	[tilespmem:s15+$0x20] =	vst v4;
	v4 =	vadd.f32 v10, v2;
	v10 =	vld [tilespmem:s15+$0xFFFFFF70]  }
0x75: {  	s9 =	smul.u32 $0xFFFF3800, s9;
	s2 =	sshrl.u32 s23, $0x6;
	v0 =	vld [tilespmem:s22+$0xFFFFFEC0]  }
0x76: {  	s5 =	sshra.s32 s5, $0x2;
	s2 =	smul.u32 $0xFFFF3800, s2;
	[tilespmem:s15+$0x60] =	vst v3;
	v2 =	vld [tilespmem:s22+$0xFFFFFF40]  }
0x77: {  	s28 =	simm.s32 $0x0;
	s9 =	sshra.s32 s9, $0x2;
	s20 =	sadd.s32 s5, s11;
	v3 =	vld [tilespmem:s22+$0xFFFFFF80];
	v9 =	vadd.f32 v9, v63;
	[tilespmem:s15+$0xA0] =	vst v4  }
0x78: {  	s5 =	sadd.s32 s9, s11;
	s9 =	sshll.u32 s7, $0xA;
	s2 =	sshra.s32 s2, $0x2;
	v4 =	vld [tilespmem:s22+$0xFFFFFFC0]  }
0x79: {  	s31 =	simm.s32 $0x6700;
	s23 =	sadd.s32 s6, s9;
	s2 =	sadd.s32 s2, s11;
	[tilespmem:s15+$0xFFFFFF30] =	vst v9;
	v9 =	vld [tilespmem:s15+$0xB0];
	v10 =	vadd.f32 v14, v10  }
.LBB2_3:
0x7a: {  	v11 =	vld [tilespmem:s31+$0xC0];
	v0 =	vadd.f32 v0, v8;
	s22 =	sadd.s32 $0x200, s22  }
0x7b: {  	s28 =	sadd.s32 $0x8, s28;
	v8 =	vld [tilespmem:s22+$0xFFFFFFD0];
	[tilespmem:s15+$0xFFFFFF70] =	vst v10;
	v1 =	vadd.f32 v1, v5  }
0x7c: {  	p0 =	slt.u32 s28, $0xF8;
	v5 =	vld [tilespmem:s22+$0xFFFFFE10];
	[tilespmem:s15+$0xFFFFFFB0] =	vst v0;
	v0 =	vadd.f32 v2, v6  }
0x7d: {  	v2 =	vld [tilespmem:s31+$0xFFFFFF40];
	[tilespmem:s15+$0xFFFFFFF0] =	vst v1;
	v1 =	vadd.f32 v3, v7  }
0x7e: {  	v3 =	vld [tilespmem:s22+$0xFFFFFE50];
	[tilespmem:s15+$0x30] =	vst v0;
	v0 =	vadd.f32 v4, v9  }
0x7f: {  	v4 =	vld [tilespmem:s31+$0xFFFFFF80];
	[tilespmem:s15+$0x70] =	vst v1  }
0x80: {  	v1 =	vld [tilespmem:s22+$0xFFFFFE90];
	v6 =	vadd.f32 v8, v11;
	[tilespmem:s15+$0xB0] =	vst v0;
	s15 =	smov.u32 s31  }
0x81: {  	v0 =	vld [tilespmem:s31+$0xFFFFFFC0]  }
0x82: {  	[tilespmem:s31+$0xC0] =	vst v6;
	v6 =	vld [tilespmem:s31+$0xD0]  }
0x83: {  	v2 =	vadd.f32 v3, v2;
	v3 =	vld [tilespmem:s22+$0xFFFFFFE0]  }
0x84: {  	v7 =	vld [tilespmem:s22+$0xFFFFFED0]  }
0x85: {  	[tilespmem:s31+$0xFFFFFF40] =	vst v2;
	v1 =	vadd.f32 v1, v4;
	v2 =	vld [tilespmem:s31+$0x0]  }
0x86: {  	v4 =	vld [tilespmem:s22+$0xFFFFFF10]  }
0x87: {  	[tilespmem:s31+$0xFFFFFF80] =	vst v1;
	v1 =	vld [tilespmem:s31+$0x40]  }
0x88: {  	v8 =	vld [tilespmem:s22+$0xFFFFFF50];
	v3 =	vadd.f32 v3, v6  }
0x89: {  	v0 =	vadd.f32 v7, v0;
	v6 =	vld [tilespmem:s31+$0x80]  }
0x8a: {  	[tilespmem:s31+$0xD0] =	vst v3;
	v3 =	vld [tilespmem:s31+$0xE0]  }
0x8b: {  	[tilespmem:s31+$0xFFFFFFC0] =	vst v0;
	v0 =	vadd.f32 v4, v2;
	v2 =	vld [tilespmem:s22+$0xFFFFFFF0]  }
0x8c: {  	v4 =	vld [tilespmem:s22+$0xFFFFFF90]  }
0x8d: {  	v7 =	vld [tilespmem:s31+$0xFFFFFF00];
	[tilespmem:s31+$0x0] =	vst v0;
	v0 =	vadd.f32 v8, v1  }
0x8e: {  	v1 =	vld [tilespmem:s22+$0xFFFFFE60]  }
0x8f: {  	v8 =	vld [tilespmem:s22+$0xFFFFFEA0];
	[tilespmem:s31+$0x40] =	vst v0  }
0x90: {  	v0 =	vld [tilespmem:s22+$0xFFFFFEE0];
	v2 =	vadd.f32 v2, v3  }
0x91: {  	v3 =	vld [tilespmem:s22+$0xFFFFFF20];
	v4 =	vadd.f32 v4, v6  }
0x92: {  	v5 =	vadd.f32 v5, v7;
	[tilespmem:s31+$0xE0] =	vst v2;
	v2 =	vld [tilespmem:s31+$0xF0]  }
0x93: {  	[tilespmem:s31+$0x80] =	vst v4;
	v4 =	vld [tilespmem:s22+$0x0]  }
0x94: {  	[tilespmem:s31+$0xFFFFFF00] =	vst v5;
	v5 =	vld [tilespmem:s22+$0xFFFFFF60]  }
0x95: {  	v6 =	vld [tilespmem:s22+$0xFFFFFE20]  }
0x96: {  	v7 =	vld [tilespmem:s22+$0xFFFFFFA0]  }
0x97: {  	v9 =	vld [tilespmem:s31+$0xFFFFFF10]  }
0x98: {  	v10 =	vld [tilespmem:s31+$0xFFFFFF50];
	v2 =	vadd.f32 v4, v2  }
0x99: {  	v4 =	vld [tilespmem:s31+$0xFFFFFF90]  }
0x9a: {  	v11 =	vld [tilespmem:s31+$0xFFFFFFD0];
	[tilespmem:s31+$0xF0] =	vst v2  }
0x9b: {  	v2 =	vld [tilespmem:s31+$0x10]  }
0x9c: {  	v6 =	vadd.f32 v6, v9;
	v9 =	vld [tilespmem:s31+$0x50]  }
0x9d: {  	v1 =	vadd.f32 v1, v10;
	v10 =	vld [tilespmem:s31+$0x90]  }
0x9e: {  	[tilespmem:s31+$0xFFFFFF10] =	vst v6;
	v6 =	vld [tilespmem:s31+$0xFFFFFF20];
	v4 =	vadd.f32 v8, v4  }
0x9f: {  	v8 =	vld [tilespmem:s22+$0xFFFFFE30];
	[tilespmem:s31+$0xFFFFFF50] =	vst v1;
	v0 =	vadd.f32 v0, v11  }
0xa0: {  	v1 =	vld [tilespmem:s22+$0xFFFFFE70];
	[tilespmem:s31+$0xFFFFFF90] =	vst v4;
	v2 =	vadd.f32 v3, v2  }
0xa1: {  	v3 =	vld [tilespmem:s22+$0xFFFFFEB0];
	[tilespmem:s31+$0xFFFFFFD0] =	vst v0;
	v0 =	vadd.f32 v5, v9  }
0xa2: {  	v4 =	vld [tilespmem:s22+$0xFFFFFEF0];
	[tilespmem:s31+$0x10] =	vst v2;
	v2 =	vadd.f32 v7, v10  }
0xa3: {  	v5 =	vld [tilespmem:s22+$0xFFFFFF30];
	[tilespmem:s31+$0x50] =	vst v0  }
0xa4: {  	v0 =	vadd.f32 v8, v6;
	v6 =	vld [tilespmem:s22+$0xFFFFFF70];
	[tilespmem:s31+$0x90] =	vst v2  }
0xa5: {  	v2 =	vld [tilespmem:s22+$0xFFFFFFB0]  }
0xa6: {  	[tilespmem:s31+$0xFFFFFF20] =	vst v0;
	v0 =	vld [tilespmem:s31+$0xFFFFFF60]  }
0xa7: {  	v7 =	vld [tilespmem:s31+$0xFFFFFFA0]  }
0xa8: {  	v8 =	vld [tilespmem:s31+$0xFFFFFFE0]  }
0xa9: {  	v9 =	vld [tilespmem:s31+$0x20]  }
0xaa: {  	v10 =	vld [tilespmem:s31+$0x60]  }
0xab: {  	v0 =	vadd.f32 v1, v0;
	v11 =	vld [tilespmem:s31+$0xA0]  }
0xac: {  	v12 =	vld [tilespmem:s22+$0xFFFFFE40];
	v1 =	vadd.f32 v3, v7  }
0xad: {  	v3 =	vld [tilespmem:s31+$0xFFFFFF30];
	[tilespmem:s31+$0xFFFFFF60] =	vst v0;
	v4 =	vadd.f32 v4, v8  }
0xae: {  	v13 =	vld [tilespmem:s22+$0xFFFFFE80];
	[tilespmem:s31+$0xFFFFFFA0] =	vst v1;
	v5 =	vadd.f32 v5, v9  }
0xaf: {  	v0 =	vld [tilespmem:s22+$0xFFFFFEC0];
	[tilespmem:s31+$0xFFFFFFE0] =	vst v4;
	v4 =	vadd.f32 v6, v10  }
0xb0: {  	v1 =	vld [tilespmem:s22+$0xFFFFFF00];
	[tilespmem:s31+$0x20] =	vst v5;
	v5 =	vadd.f32 v2, v11  }
0xb1: {  	v2 =	vld [tilespmem:s22+$0xFFFFFF40];
	[tilespmem:s31+$0x60] =	vst v4  }
0xb2: {  	v6 =	vadd.f32 v12, v3;
	v3 =	vld [tilespmem:s22+$0xFFFFFF80];
	[tilespmem:s31+$0xA0] =	vst v5  }
0xb3: {  	v4 =	vld [tilespmem:s22+$0xFFFFFFC0]  }
0xb4: {  	[tilespmem:s31+$0xFFFFFF30] =	vst v6;
	v9 =	vld [tilespmem:s31+$0xFFFFFF70]  }
.Ltmp2:
0xb5: {  	v8 =	vld [tilespmem:s31+$0xFFFFFFB0];
	(pc) =	sbr.rel @p0 .LBB2_3-.Ltmp2, $4  }
0xb6: {  	v5 =	vld [tilespmem:s31+$0xFFFFFFF0]  }
0xb7: {  	v6 =	vld [tilespmem:s31+$0x30]  }
0xb8: {  	v7 =	vld [tilespmem:s31+$0x70]  }
0xb9: {  	s31 =	sadd.s32 $0x200, s31;
	v10 =	vadd.f32 v13, v9;
	v9 =	vld [tilespmem:s15+$0xB0]  }
0xba: {  	v0 =	vadd.f32 v0, v8  }
0xbb: {  	[tilespmem:s15+$0xFFFFFF70] =	vst v10;
	v1 =	vadd.f32 v1, v5  }
0xbc: {  	[tilespmem:s15+$0xFFFFFFB0] =	vst v0;
	v0 =	vadd.f32 v2, v6  }
0xbd: {  	[tilespmem:s15+$0xFFFFFFF0] =	vst v1;
	v1 =	vadd.f32 v3, v7  }
0xbe: {  	[tilespmem:s15+$0x30] =	vst v0;
	v0 =	vadd.f32 v4, v9  }
0xbf: {  	s22 =	sshll.u32 s23, $0x4;
	p0 =	seq.s32 s7, $0x0;
	[tilespmem:s15+$0x70] =	vst v1  }
0xc0: {  	s22 =	sadd.s32 s1, s22;
	[tilespmem:s15+$0xB0] =	vst v0;
	s15 =	simm.s32 @!p0 $0x7  }
0xc1: {  	[hbm4b:s22+s25] =	stream.strided.scatter [tilespmem:s18], [sflag:$0x5], $0x4000, s17, s25, $0x38;
	[tilespmem:$0x1D600] =	vst v63  }
0xc2: {  	_ =	swait.ge @!p0 [sflag:s15], $0x4000  }
0xc3: {  	[sflag:s15] =	ssyncset.done @!p0 $0x0  }
0xc4: {  	[sflag:s15] =	ssyncadd.s32 @!p0 $0xFFFFC000;
	s15 =	sor.u32 $0x200, s9  }
0xc5: {  	[tilespmem:s26], [sflag:$0x3] =	stream.indirect.gather [hbm4b:s4+s17], $0x40, s15, s17, $0xb8;
	[tilespmem:$0x1D600] =	vst v63  }
0xc6: {  	s23 =	sadd.s32 $0x280, s9;
	s31 =	simm.s32 $0x10400  }
0xc7: {  	[tilespmem:s31], [sflag:$0x3] =	stream.indirect.gather [hbm4b:s4+s17], $0x40, s23, s17, $0xb8;
	[tilespmem:$0x1D600] =	vst v63  }
0xc8: {  	_ =	swait.ge [sflag:s29], $0x2000  }
0xc9: {  	v0 =	vmov s5;
	[sflag:s29] =	ssyncset.done $0x0  }
0xca: {  	[sflag:s29] =	ssyncadd.s32 $0xFFFFE000  }
0xcb: {  	_ =	swait.ge [sflag:s29], $0x2000  }
0xcc: {  	[sflag:s29] =	ssyncset.done $0x0  }
0xcd: {  	s22 =	simm.s32 $0x0;
	[sflag:s29] =	ssyncadd.s32 $0xFFFFE000  }
0xce: {  	v1 =	vld.idx.msk [tilespmem:v0+s22+$0x41C0 ss:$0x1], $0xffff  }
0xcf: {  	v2 =	vld [tilespmem:s22+$0xA5C0]  }
0xd0: {  	v3 =	vld.idx.msk [tilespmem:v0+s22+$0x4000 ss:$0x1], $0xffff  }
0xd1: {  	v4 =	vld.idx.msk [tilespmem:v0+s22+$0x4040 ss:$0x1], $0xffff  }
0xd2: {  	v5 =	vld.idx.msk [tilespmem:v0+s22+$0x4080 ss:$0x1], $0xffff  }
0xd3: {  	v6 =	vld.idx.msk [tilespmem:v0+s22+$0x40C0 ss:$0x1], $0xffff  }
0xd4: {  	v7 =	vld.idx.msk [tilespmem:v0+s22+$0x4100 ss:$0x1], $0xffff  }
0xd5: {  	v8 =	vld.idx.msk [tilespmem:v0+s22+$0x4180 ss:$0x1], $0xffff  }
0xd6: {  	v9 =	vld [tilespmem:s22+$0xA5D0]  }
0xd7: {  	v10 =	vld [tilespmem:s22+$0xA400]  }
0xd8: {  	v11 =	vld [tilespmem:s22+$0xA440]  }
0xd9: {  	v12 =	vld [tilespmem:s22+$0xA480]  }
0xda: {  	v13 =	vld [tilespmem:s22+$0xA4C0]  }
0xdb: {  	v14 =	vld [tilespmem:s22+$0xA500]  }
0xdc: {  	v57 =	vld [tilespmem:s22+$0xA490]  }
0xdd: {  	v58 =	vld [tilespmem:s22+$0xA4D0]  }
0xde: {  	v59 =	vld [tilespmem:s22+$0xA510]  }
0xdf: {  	v61 =	vld [tilespmem:s22+$0xA4E0];
	v1 =	vadd.f32 v1, v2  }
0xe0: {  	v62 =	vld [tilespmem:s22+$0xA520]  }
0xe1: {  	v3 =	vadd.f32 v3, v10;
	v10 =	vld [tilespmem:s22+$0xA580];
	[tilespmem:s22+$0xA5C0] =	vst v1  }
0xe2: {  	v1 =	vld.idx.msk [tilespmem:v0+s22+$0x41D0 ss:$0x1], $0xffff  }
0xe3: {  	v63 =	vld [tilespmem:s22+$0xA560];
	[tilespmem:s22+$0xA400] =	vst v3;
	v3 =	vadd.f32 v5, v12  }
0xe4: {  	v15 =	vld [tilespmem:s22+$0xA430]  }
0xe5: {  	v2 =	vld.idx.msk [tilespmem:v0+s22+$0x4140 ss:$0x1], $0xffff;
	[tilespmem:s22+$0xA480] =	vst v3;
	v3 =	vadd.f32 v7, v14  }
0xe6: {  	v5 =	vld [tilespmem:s22+$0xA5E0]  }
0xe7: {  	[tilespmem:s22+$0xA500] =	vst v3;
	v3 =	vadd.f32 v8, v10;
	v10 =	vld [tilespmem:s22+$0xA5F0];
	v1 =	vadd.f32 v1, v9  }
0xe8: {  	v9 =	vld [tilespmem:s22+$0xA540]  }
0xe9: {  	[tilespmem:s22+$0xA5D0] =	vst v1;
	v1 =	vadd.f32 v4, v11;
	v11 =	vld [tilespmem:s22+$0xA450]  }
0xea: {  	v4 =	vld.idx.msk [tilespmem:v0+s22+$0x41E0 ss:$0x1], $0xffff  }
0xeb: {  	[tilespmem:s22+$0xA440] =	vst v1;
	v1 =	vadd.f32 v6, v13;
	v6 =	vld.idx.msk [tilespmem:v0+s22+$0x4010 ss:$0x1], $0xffff  }
0xec: {  	v7 =	vld.idx.msk [tilespmem:v0+s22+$0x4050 ss:$0x1], $0xffff  }
0xed: {  	[tilespmem:s22+$0xA4C0] =	vst v1;
	v1 =	vadd.f32 v2, v9;
	v2 =	vld.idx.msk [tilespmem:v0+s22+$0x4090 ss:$0x1], $0xffff  }
0xee: {  	[tilespmem:s22+$0xA580] =	vst v3;
	v8 =	vld.idx.msk [tilespmem:v0+s22+$0x40D0 ss:$0x1], $0xffff  }
0xef: {  	[tilespmem:s22+$0xA540] =	vst v1;
	v1 =	vld.idx.msk [tilespmem:v0+s22+$0x4110 ss:$0x1], $0xffff  }
0xf0: {  	v4 =	vadd.f32 v4, v5;
	v5 =	vld.idx.msk [tilespmem:v0+s22+$0x4190 ss:$0x1], $0xffff  }
0xf1: {  	v3 =	vld.idx.msk [tilespmem:v0+s22+$0x4150 ss:$0x1], $0xffff  }
0xf2: {  	[tilespmem:s22+$0xA5E0] =	vst v4;
	v4 =	vld [tilespmem:s22+$0xA410];
	v7 =	vadd.f32 v7, v11  }
0xf3: {  	v11 =	vld [tilespmem:s22+$0xA590];
	v2 =	vadd.f32 v2, v57  }
0xf4: {  	v9 =	vld.idx.msk [tilespmem:v0+s22+$0x41F0 ss:$0x1], $0xffff;
	[tilespmem:s22+$0xA450] =	vst v7  }
0xf5: {  	v7 =	vadd.f32 v8, v58;
	v8 =	vld.idx.msk [tilespmem:v0+s22+$0x4060 ss:$0x1], $0xffff;
	[tilespmem:s22+$0xA490] =	vst v2  }
0xf6: {  	v1 =	vadd.f32 v1, v59;
	v2 =	vld.idx.msk [tilespmem:v0+s22+$0x40A0 ss:$0x1], $0xffff  }
0xf7: {  	v4 =	vadd.f32 v6, v4;
	v6 =	vld [tilespmem:s22+$0xA550]  }
0xf8: {  	[tilespmem:s22+$0xA510] =	vst v1;
	v1 =	vadd.f32 v5, v11;
	v11 =	vld [tilespmem:s22+$0xA4A0]  }
0xf9: {  	v5 =	vld.idx.msk [tilespmem:v0+s22+$0x4120 ss:$0x1], $0xffff  }
0xfa: {  	[tilespmem:s22+$0xA410] =	vst v4;
	v4 =	vld [tilespmem:s22+$0xA420]  }
0xfb: {  	v60 =	vld.idx.msk [tilespmem:v0+s22+$0x4020 ss:$0x1], $0xffff  }
0xfc: {  	[tilespmem:s22+$0xA590] =	vst v1;
	v1 =	vld [tilespmem:s22+$0xA460]  }
0xfd: {  	[tilespmem:s22+$0xA4D0] =	vst v7;
	v7 =	vld.idx.msk [tilespmem:v0+s22+$0x41A0 ss:$0x1], $0xffff;
	v3 =	vadd.f32 v3, v6  }
0xfe: {  	v6 =	vld.idx.msk [tilespmem:v0+s22+$0x40E0 ss:$0x1], $0xffff;
	v2 =	vadd.f32 v2, v11  }
0xff: {  	v11 =	vld [tilespmem:s22+$0xA470];
	v5 =	vadd.f32 v5, v62;
	[tilespmem:s22+$0xA550] =	vst v3  }
0x100: {  	[tilespmem:s22+$0xA4A0] =	vst v2;
	v3 =	vld.idx.msk [tilespmem:v0+s22+$0x4160 ss:$0x1], $0xffff;
	v4 =	vadd.f32 v60, v4  }
0x101: {  	v1 =	vadd.f32 v8, v1;
	v2 =	vld.idx.msk [tilespmem:v0+s22+$0x40B0 ss:$0x1], $0xffff;
	[tilespmem:s22+$0xA520] =	vst v5  }
0x102: {  	[tilespmem:s22+$0xA420] =	vst v4;
	v4 =	vld [tilespmem:s22+$0xA5A0]  }
0x103: {  	[tilespmem:s22+$0xA460] =	vst v1;
	v5 =	vld.idx.msk [tilespmem:v0+s22+$0x4130 ss:$0x1], $0xffff;
	v6 =	vadd.f32 v6, v61  }
0x104: {  	v1 =	vld.idx.msk [tilespmem:v0+s22+$0x4070 ss:$0x1], $0xffff  }
0x105: {  	v8 =	vld.idx.msk [tilespmem:v0+s22+$0x4030 ss:$0x1], $0xffff;
	[tilespmem:s22+$0xA4E0] =	vst v6  }
0x106: {  	v6 =	vadd.f32 v3, v63;
	v3 =	vld.idx.msk [tilespmem:v0+s22+$0x40F0 ss:$0x1], $0xffff  }
0x107: {  	v4 =	vadd.f32 v7, v4;
	v7 =	vadd.f32 v9, v10;
	v10 =	vld [tilespmem:s22+$0xA4B0]  }
0x108: {  	[tilespmem:s22+$0xA560] =	vst v6;
	v9 =	vld [tilespmem:s22+$0xA4F0]  }
0x109: {  	v6 =	vld.idx.msk [tilespmem:v0+s22+$0x4170 ss:$0x1], $0xffff;
	[tilespmem:s22+$0xA5A0] =	vst v4  }
0x10a: {  	v8 =	vadd.f32 v8, v15;
	[tilespmem:s22+$0xA5F0] =	vst v7;
	v7 =	vld [tilespmem:s22+$0xA530]  }
0x10b: {  	s31 =	sadd.s32 s9, s6;
	v4 =	vld.idx.msk [tilespmem:v0+s22+$0x41B0 ss:$0x1], $0xffff  }
0x10c: {  	s28 =	simm.s32 $0x800;
	s23 =	simm.s32 $0x0;
	s5 =	sadd.s32 $0x100, s31;
	[tilespmem:s22+$0xA430] =	vst v8;
	v8 =	vld [tilespmem:s22+$0xA570]  }
.LBB2_5:
0x10d: {  	s31 =	sshra.s32 s28, $0x2;
	s23 =	sadd.s32 $0x8, s23;
	v1 =	vadd.f32 v1, v11;
	v11 =	vld [tilespmem:s22+$0xA5B0]  }
0x10e: {  	v12 =	vld.idx.msk [tilespmem:v0+s31+$0x41C0 ss:$0x1], $0xffff;
	p1 =	slt.u32 s23, $0xF8;
	v2 =	vadd.f32 v2, v10  }
0x10f: {  	v10 =	vld [tilespmem:s31+$0xA5C0];
	[tilespmem:s22+$0xA470] =	vst v1;
	v1 =	vadd.f32 v3, v9  }
0x110: {  	v3 =	vld.idx.msk [tilespmem:v0+s31+$0x4000 ss:$0x1], $0xffff;
	[tilespmem:s22+$0xA4B0] =	vst v2;
	v2 =	vadd.f32 v5, v7  }
0x111: {  	v5 =	vld.idx.msk [tilespmem:v0+s31+$0x4040 ss:$0x1], $0xffff;
	[tilespmem:s22+$0xA4F0] =	vst v1;
	v1 =	vadd.f32 v6, v8  }
0x112: {  	v6 =	vld.idx.msk [tilespmem:v0+s31+$0x4080 ss:$0x1], $0xffff;
	[tilespmem:s22+$0xA530] =	vst v2;
	v2 =	vadd.f32 v4, v11  }
0x113: {  	v4 =	vld.idx.msk [tilespmem:v0+s31+$0x40C0 ss:$0x1], $0xffff;
	[tilespmem:s22+$0xA570] =	vst v1  }
0x114: {  	v1 =	vld.idx.msk [tilespmem:v0+s31+$0x4100 ss:$0x1], $0xffff;
	v7 =	vadd.f32 v12, v10;
	[tilespmem:s22+$0xA5B0] =	vst v2;
	s22 =	smov.u32 s31  }
0x115: {  	v2 =	vld.idx.msk [tilespmem:v0+s22+$0x4140 ss:$0x1], $0xffff  }
0x116: {  	v8 =	vld.idx.msk [tilespmem:v0+s22+$0x4180 ss:$0x1], $0xffff;
	[tilespmem:s22+$0xA5C0] =	vst v7  }
0x117: {  	v7 =	vld.idx.msk [tilespmem:v0+s22+$0x41D0 ss:$0x1], $0xffff  }
0x118: {  	v9 =	vld [tilespmem:s22+$0xA5D0]  }
0x119: {  	v10 =	vld [tilespmem:s22+$0xA400]  }
0x11a: {  	v11 =	vld [tilespmem:s22+$0xA440]  }
0x11b: {  	v12 =	vld [tilespmem:s22+$0xA480]  }
0x11c: {  	v13 =	vld [tilespmem:s22+$0xA4C0]  }
0x11d: {  	v14 =	vld [tilespmem:s22+$0xA500];
	v7 =	vadd.f32 v7, v9  }
0x11e: {  	v3 =	vadd.f32 v3, v10;
	v9 =	vld [tilespmem:s22+$0xA540]  }
0x11f: {  	v5 =	vadd.f32 v5, v11;
	v10 =	vld [tilespmem:s22+$0xA580];
	[tilespmem:s22+$0xA5D0] =	vst v7  }
0x120: {  	[tilespmem:s22+$0xA400] =	vst v3;
	v3 =	vadd.f32 v6, v12;
	v6 =	vld.idx.msk [tilespmem:v0+s22+$0x41E0 ss:$0x1], $0xffff  }
0x121: {  	[tilespmem:s22+$0xA440] =	vst v5;
	v4 =	vadd.f32 v4, v13;
	v5 =	vld [tilespmem:s22+$0xA5E0]  }
0x122: {  	v7 =	vld.idx.msk [tilespmem:v0+s22+$0x4010 ss:$0x1], $0xffff;
	[tilespmem:s22+$0xA480] =	vst v3;
	v1 =	vadd.f32 v1, v14  }
0x123: {  	v3 =	vld.idx.msk [tilespmem:v0+s22+$0x4050 ss:$0x1], $0xffff;
	[tilespmem:s22+$0xA4C0] =	vst v4;
	v2 =	vadd.f32 v2, v9  }
0x124: {  	v4 =	vld.idx.msk [tilespmem:v0+s22+$0x4090 ss:$0x1], $0xffff;
	[tilespmem:s22+$0xA500] =	vst v1;
	v1 =	vadd.f32 v8, v10  }
0x125: {  	v8 =	vld.idx.msk [tilespmem:v0+s22+$0x40D0 ss:$0x1], $0xffff;
	[tilespmem:s22+$0xA540] =	vst v2  }
0x126: {  	v2 =	vld.idx.msk [tilespmem:v0+s22+$0x4110 ss:$0x1], $0xffff;
	[tilespmem:s22+$0xA580] =	vst v1;
	v1 =	vadd.f32 v6, v5  }
0x127: {  	v5 =	vld.idx.msk [tilespmem:v0+s22+$0x4150 ss:$0x1], $0xffff  }
0x128: {  	v6 =	vld.idx.msk [tilespmem:v0+s22+$0x4190 ss:$0x1], $0xffff;
	[tilespmem:s22+$0xA5E0] =	vst v1  }
0x129: {  	v1 =	vld.idx.msk [tilespmem:v0+s22+$0x41F0 ss:$0x1], $0xffff  }
0x12a: {  	v9 =	vld [tilespmem:s22+$0xA5F0]  }
0x12b: {  	v10 =	vld [tilespmem:s22+$0xA410]  }
0x12c: {  	v11 =	vld [tilespmem:s22+$0xA450]  }
0x12d: {  	v12 =	vld [tilespmem:s22+$0xA490]  }
0x12e: {  	v13 =	vld [tilespmem:s22+$0xA4D0]  }
0x12f: {  	v14 =	vld [tilespmem:s22+$0xA510];
	v1 =	vadd.f32 v1, v9  }
0x130: {  	v7 =	vadd.f32 v7, v10;
	v9 =	vld [tilespmem:s22+$0xA550]  }
0x131: {  	v3 =	vadd.f32 v3, v11;
	v10 =	vld [tilespmem:s22+$0xA590];
	[tilespmem:s22+$0xA5F0] =	vst v1  }
0x132: {  	[tilespmem:s22+$0xA410] =	vst v7;
	v1 =	vld [tilespmem:s22+$0xA420];
	v4 =	vadd.f32 v4, v12  }
0x133: {  	v7 =	vld.idx.msk [tilespmem:v0+s22+$0x4020 ss:$0x1], $0xffff;
	[tilespmem:s22+$0xA450] =	vst v3;
	v3 =	vadd.f32 v8, v13  }
0x134: {  	v8 =	vld.idx.msk [tilespmem:v0+s22+$0x4060 ss:$0x1], $0xffff;
	[tilespmem:s22+$0xA490] =	vst v4;
	v2 =	vadd.f32 v2, v14  }
0x135: {  	v4 =	vld.idx.msk [tilespmem:v0+s22+$0x40A0 ss:$0x1], $0xffff;
	[tilespmem:s22+$0xA4D0] =	vst v3;
	v3 =	vadd.f32 v5, v9  }
0x136: {  	v5 =	vld.idx.msk [tilespmem:v0+s22+$0x40E0 ss:$0x1], $0xffff;
	[tilespmem:s22+$0xA510] =	vst v2;
	v2 =	vadd.f32 v6, v10  }
0x137: {  	v6 =	vld.idx.msk [tilespmem:v0+s22+$0x4120 ss:$0x1], $0xffff;
	[tilespmem:s22+$0xA550] =	vst v3  }
0x138: {  	v3 =	vld.idx.msk [tilespmem:v0+s22+$0x4160 ss:$0x1], $0xffff;
	[tilespmem:s22+$0xA590] =	vst v2  }
0x139: {  	v1 =	vadd.f32 v7, v1;
	v7 =	vld.idx.msk [tilespmem:v0+s22+$0x41A0 ss:$0x1], $0xffff  }
0x13a: {  	v2 =	vld [tilespmem:s22+$0xA460]  }
0x13b: {  	[tilespmem:s22+$0xA420] =	vst v1;
	v1 =	vld [tilespmem:s22+$0xA4A0]  }
0x13c: {  	v9 =	vld [tilespmem:s22+$0xA4E0]  }
0x13d: {  	v10 =	vld [tilespmem:s22+$0xA520]  }
0x13e: {  	v11 =	vld [tilespmem:s22+$0xA560]  }
0x13f: {  	v2 =	vadd.f32 v8, v2;
	v8 =	vld [tilespmem:s22+$0xA5A0]  }
0x140: {  	v12 =	vld.idx.msk [tilespmem:v0+s22+$0x4030 ss:$0x1], $0xffff;
	v4 =	vadd.f32 v4, v1  }
0x141: {  	v13 =	vld [tilespmem:s22+$0xA430];
	[tilespmem:s22+$0xA460] =	vst v2;
	v5 =	vadd.f32 v5, v9  }
0x142: {  	v1 =	vld.idx.msk [tilespmem:v0+s22+$0x4070 ss:$0x1], $0xffff;
	[tilespmem:s22+$0xA4A0] =	vst v4;
	v4 =	vadd.f32 v6, v10  }
0x143: {  	v2 =	vld.idx.msk [tilespmem:v0+s22+$0x40B0 ss:$0x1], $0xffff;
	[tilespmem:s22+$0xA4E0] =	vst v5;
	v6 =	vadd.f32 v3, v11  }
0x144: {  	v3 =	vld.idx.msk [tilespmem:v0+s22+$0x40F0 ss:$0x1], $0xffff;
	[tilespmem:s22+$0xA520] =	vst v4;
	v4 =	vadd.f32 v7, v8  }
0x145: {  	v5 =	vld.idx.msk [tilespmem:v0+s22+$0x4130 ss:$0x1], $0xffff;
	[tilespmem:s22+$0xA560] =	vst v6  }
0x146: {  	v7 =	vadd.f32 v12, v13;
	v6 =	vld.idx.msk [tilespmem:v0+s22+$0x4170 ss:$0x1], $0xffff;
	[tilespmem:s22+$0xA5A0] =	vst v4  }
0x147: {  	v4 =	vld.idx.msk [tilespmem:v0+s22+$0x41B0 ss:$0x1], $0xffff  }
.Ltmp3:
0x148: {  	[tilespmem:s22+$0xA430] =	vst v7;
	v11 =	vld [tilespmem:s22+$0xA470];
	(pc) =	sbr.rel @p1 .LBB2_5-.Ltmp3, $4  }
0x149: {  	v10 =	vld [tilespmem:s22+$0xA4B0]  }
0x14a: {  	v9 =	vld [tilespmem:s22+$0xA4F0]  }
0x14b: {  	v7 =	vld [tilespmem:s22+$0xA530]  }
0x14c: {  	s28 =	sadd.s32 $0x800, s28;
	v8 =	vld [tilespmem:s22+$0xA570]  }
0x14d: {  	v0 =	vadd.f32 v1, v11;
	v1 =	vld [tilespmem:s22+$0xA5B0]  }
0x14e: {  	v2 =	vadd.f32 v2, v10  }
0x14f: {  	[tilespmem:s22+$0xA470] =	vst v0;
	v0 =	vadd.f32 v3, v9  }
0x150: {  	[tilespmem:s22+$0xA4B0] =	vst v2;
	v2 =	vadd.f32 v5, v7  }
0x151: {  	[tilespmem:s22+$0xA4F0] =	vst v0;
	v0 =	vadd.f32 v6, v8  }
0x152: {  	s5 =	sshll.u32 s5, $0x4;
	[tilespmem:s22+$0xA530] =	vst v2;
	v1 =	vadd.f32 v4, v1  }
0x153: {  	s5 =	sand.u32 $0x1FFFD000, s5;
	[tilespmem:s22+$0xA570] =	vst v0  }
0x154: {  	s5 =	sadd.s32 s1, s5;
	[tilespmem:s22+$0xA5B0] =	vst v1  }
0x155: {  	[hbm4b:s5+s25] =	stream.strided.scatter [tilespmem:s21], [sflag:$0x6], $0x4000, s17, s25, $0x38;
	[tilespmem:$0x1D600] =	vst v63  }
0x156: {  	s5 =	simm.s32 @!p0 $0x8  }
0x157: {  	_ =	swait.ge @!p0 [sflag:s5], $0x4000  }
0x158: {  	[sflag:s5] =	ssyncset.done @!p0 $0x0  }
0x159: {  	s22 =	sor.u32 $0x300, s9;
	[sflag:s5] =	ssyncadd.s32 @!p0 $0xFFFFC000  }
0x15a: {  	[tilespmem:s30], [sflag:$0x4] =	stream.indirect.gather [hbm4b:s4+s17], $0x40, s22, s17, $0xb8;
	[tilespmem:$0x1D600] =	vst v63  }
0x15b: {  	s31 =	sadd.s32 $0x380, s9;
	s23 =	simm.s32 $0x14400  }
0x15c: {  	[tilespmem:s23], [sflag:$0x4] =	stream.indirect.gather [hbm4b:s4+s17], $0x40, s31, s17, $0xb8;
	[tilespmem:$0x1D600] =	vst v63  }
0x15d: {  	_ =	swait.ge [sflag:s0], $0x2000  }
0x15e: {  	v0 =	vmov s20;
	[sflag:s0] =	ssyncset.done $0x0  }
0x15f: {  	[sflag:s0] =	ssyncadd.s32 $0xFFFFE000  }
0x160: {  	_ =	swait.ge [sflag:s0], $0x2000  }
0x161: {  	[sflag:s0] =	ssyncset.done $0x0  }
0x162: {  	s20 =	simm.s32 $0x0;
	[sflag:s0] =	ssyncadd.s32 $0xFFFFE000  }
0x163: {  	v1 =	vld.idx.msk [tilespmem:v0+s20+$0x81C0 ss:$0x1], $0xffff  }
0x164: {  	v2 =	vld [tilespmem:s20+$0xE5C0]  }
0x165: {  	v3 =	vld.idx.msk [tilespmem:v0+s20+$0x8000 ss:$0x1], $0xffff  }
0x166: {  	v4 =	vld.idx.msk [tilespmem:v0+s20+$0x8040 ss:$0x1], $0xffff  }
0x167: {  	v5 =	vld.idx.msk [tilespmem:v0+s20+$0x8080 ss:$0x1], $0xffff  }
0x168: {  	v6 =	vld.idx.msk [tilespmem:v0+s20+$0x80C0 ss:$0x1], $0xffff  }
0x169: {  	v7 =	vld.idx.msk [tilespmem:v0+s20+$0x8100 ss:$0x1], $0xffff  }
0x16a: {  	v8 =	vld.idx.msk [tilespmem:v0+s20+$0x8180 ss:$0x1], $0xffff  }
0x16b: {  	v9 =	vld [tilespmem:s20+$0xE5D0]  }
0x16c: {  	v10 =	vld [tilespmem:s20+$0xE400]  }
0x16d: {  	v11 =	vld [tilespmem:s20+$0xE440]  }
0x16e: {  	v12 =	vld [tilespmem:s20+$0xE480]  }
0x16f: {  	v13 =	vld [tilespmem:s20+$0xE4C0]  }
0x170: {  	v14 =	vld [tilespmem:s20+$0xE500]  }
0x171: {  	v57 =	vld [tilespmem:s20+$0xE490]  }
0x172: {  	v58 =	vld [tilespmem:s20+$0xE4D0]  }
0x173: {  	v59 =	vld [tilespmem:s20+$0xE510]  }
0x174: {  	v61 =	vld [tilespmem:s20+$0xE4E0];
	v1 =	vadd.f32 v1, v2  }
0x175: {  	v62 =	vld [tilespmem:s20+$0xE520]  }
0x176: {  	v3 =	vadd.f32 v3, v10;
	v10 =	vld [tilespmem:s20+$0xE580];
	[tilespmem:s20+$0xE5C0] =	vst v1  }
0x177: {  	v1 =	vld.idx.msk [tilespmem:v0+s20+$0x81D0 ss:$0x1], $0xffff  }
0x178: {  	v63 =	vld [tilespmem:s20+$0xE560];
	[tilespmem:s20+$0xE400] =	vst v3;
	v3 =	vadd.f32 v5, v12  }
0x179: {  	v15 =	vld [tilespmem:s20+$0xE430]  }
0x17a: {  	v2 =	vld.idx.msk [tilespmem:v0+s20+$0x8140 ss:$0x1], $0xffff;
	[tilespmem:s20+$0xE480] =	vst v3;
	v3 =	vadd.f32 v7, v14  }
0x17b: {  	v5 =	vld [tilespmem:s20+$0xE5E0]  }
0x17c: {  	[tilespmem:s20+$0xE500] =	vst v3;
	v3 =	vadd.f32 v8, v10;
	v10 =	vld [tilespmem:s20+$0xE5F0];
	v1 =	vadd.f32 v1, v9  }
0x17d: {  	v9 =	vld [tilespmem:s20+$0xE540]  }
0x17e: {  	[tilespmem:s20+$0xE5D0] =	vst v1;
	v1 =	vadd.f32 v4, v11;
	v11 =	vld [tilespmem:s20+$0xE450]  }
0x17f: {  	v4 =	vld.idx.msk [tilespmem:v0+s20+$0x81E0 ss:$0x1], $0xffff  }
0x180: {  	[tilespmem:s20+$0xE440] =	vst v1;
	v1 =	vadd.f32 v6, v13;
	v6 =	vld.idx.msk [tilespmem:v0+s20+$0x8010 ss:$0x1], $0xffff  }
0x181: {  	v7 =	vld.idx.msk [tilespmem:v0+s20+$0x8050 ss:$0x1], $0xffff  }
0x182: {  	[tilespmem:s20+$0xE4C0] =	vst v1;
	v1 =	vadd.f32 v2, v9;
	v2 =	vld.idx.msk [tilespmem:v0+s20+$0x8090 ss:$0x1], $0xffff  }
0x183: {  	[tilespmem:s20+$0xE580] =	vst v3;
	v8 =	vld.idx.msk [tilespmem:v0+s20+$0x80D0 ss:$0x1], $0xffff  }
0x184: {  	[tilespmem:s20+$0xE540] =	vst v1;
	v1 =	vld.idx.msk [tilespmem:v0+s20+$0x8110 ss:$0x1], $0xffff  }
0x185: {  	v4 =	vadd.f32 v4, v5;
	v5 =	vld.idx.msk [tilespmem:v0+s20+$0x8190 ss:$0x1], $0xffff  }
0x186: {  	v3 =	vld.idx.msk [tilespmem:v0+s20+$0x8150 ss:$0x1], $0xffff  }
0x187: {  	[tilespmem:s20+$0xE5E0] =	vst v4;
	v4 =	vld [tilespmem:s20+$0xE410];
	v7 =	vadd.f32 v7, v11  }
0x188: {  	v11 =	vld [tilespmem:s20+$0xE590];
	v2 =	vadd.f32 v2, v57  }
0x189: {  	v9 =	vld.idx.msk [tilespmem:v0+s20+$0x81F0 ss:$0x1], $0xffff;
	[tilespmem:s20+$0xE450] =	vst v7  }
0x18a: {  	v7 =	vadd.f32 v8, v58;
	v8 =	vld.idx.msk [tilespmem:v0+s20+$0x8060 ss:$0x1], $0xffff;
	[tilespmem:s20+$0xE490] =	vst v2  }
0x18b: {  	v1 =	vadd.f32 v1, v59;
	v2 =	vld.idx.msk [tilespmem:v0+s20+$0x80A0 ss:$0x1], $0xffff  }
0x18c: {  	v4 =	vadd.f32 v6, v4;
	v6 =	vld [tilespmem:s20+$0xE550]  }
0x18d: {  	[tilespmem:s20+$0xE510] =	vst v1;
	v1 =	vadd.f32 v5, v11;
	v11 =	vld [tilespmem:s20+$0xE4A0]  }
0x18e: {  	v5 =	vld.idx.msk [tilespmem:v0+s20+$0x8120 ss:$0x1], $0xffff  }
0x18f: {  	[tilespmem:s20+$0xE410] =	vst v4;
	v4 =	vld [tilespmem:s20+$0xE420]  }
0x190: {  	v60 =	vld.idx.msk [tilespmem:v0+s20+$0x8020 ss:$0x1], $0xffff  }
0x191: {  	[tilespmem:s20+$0xE590] =	vst v1;
	v1 =	vld [tilespmem:s20+$0xE460]  }
0x192: {  	[tilespmem:s20+$0xE4D0] =	vst v7;
	v7 =	vld.idx.msk [tilespmem:v0+s20+$0x81A0 ss:$0x1], $0xffff;
	v3 =	vadd.f32 v3, v6  }
0x193: {  	v6 =	vld.idx.msk [tilespmem:v0+s20+$0x80E0 ss:$0x1], $0xffff;
	v2 =	vadd.f32 v2, v11  }
0x194: {  	v11 =	vld [tilespmem:s20+$0xE470];
	v5 =	vadd.f32 v5, v62;
	[tilespmem:s20+$0xE550] =	vst v3  }
0x195: {  	[tilespmem:s20+$0xE4A0] =	vst v2;
	v3 =	vld.idx.msk [tilespmem:v0+s20+$0x8160 ss:$0x1], $0xffff;
	v4 =	vadd.f32 v60, v4  }
0x196: {  	v1 =	vadd.f32 v8, v1;
	v2 =	vld.idx.msk [tilespmem:v0+s20+$0x80B0 ss:$0x1], $0xffff;
	[tilespmem:s20+$0xE520] =	vst v5  }
0x197: {  	[tilespmem:s20+$0xE420] =	vst v4;
	v4 =	vld [tilespmem:s20+$0xE5A0]  }
0x198: {  	[tilespmem:s20+$0xE460] =	vst v1;
	v5 =	vld.idx.msk [tilespmem:v0+s20+$0x8130 ss:$0x1], $0xffff;
	v6 =	vadd.f32 v6, v61  }
0x199: {  	v1 =	vld.idx.msk [tilespmem:v0+s20+$0x8070 ss:$0x1], $0xffff  }
0x19a: {  	v8 =	vld.idx.msk [tilespmem:v0+s20+$0x8030 ss:$0x1], $0xffff;
	[tilespmem:s20+$0xE4E0] =	vst v6  }
0x19b: {  	v6 =	vadd.f32 v3, v63;
	v3 =	vld.idx.msk [tilespmem:v0+s20+$0x80F0 ss:$0x1], $0xffff  }
0x19c: {  	v4 =	vadd.f32 v7, v4;
	v7 =	vadd.f32 v9, v10;
	v10 =	vld [tilespmem:s20+$0xE4B0]  }
0x19d: {  	[tilespmem:s20+$0xE560] =	vst v6;
	v9 =	vld [tilespmem:s20+$0xE4F0]  }
0x19e: {  	v6 =	vld.idx.msk [tilespmem:v0+s20+$0x8170 ss:$0x1], $0xffff;
	[tilespmem:s20+$0xE5A0] =	vst v4  }
0x19f: {  	v8 =	vadd.f32 v8, v15;
	[tilespmem:s20+$0xE5F0] =	vst v7;
	v7 =	vld [tilespmem:s20+$0xE530]  }
0x1a0: {  	v4 =	vld.idx.msk [tilespmem:v0+s20+$0x81B0 ss:$0x1], $0xffff  }
0x1a1: {  	s5 =	sadd.s32 s6, s15;
	s15 =	simm.s32 $0x0;
	s23 =	simm.s32 $0x800;
	[tilespmem:s20+$0xE430] =	vst v8;
	v8 =	vld [tilespmem:s20+$0xE570]  }
.LBB2_7:
0x1a2: {  	s28 =	sshra.s32 s23, $0x2;
	s15 =	sadd.s32 $0x8, s15;
	v1 =	vadd.f32 v1, v11;
	v11 =	vld [tilespmem:s20+$0xE5B0]  }
0x1a3: {  	v12 =	vld.idx.msk [tilespmem:v0+s28+$0x81C0 ss:$0x1], $0xffff;
	p0 =	slt.u32 s15, $0xF8;
	v2 =	vadd.f32 v2, v10  }
0x1a4: {  	v10 =	vld [tilespmem:s28+$0xE5C0];
	[tilespmem:s20+$0xE470] =	vst v1;
	v1 =	vadd.f32 v3, v9  }
0x1a5: {  	v3 =	vld.idx.msk [tilespmem:v0+s28+$0x8000 ss:$0x1], $0xffff;
	[tilespmem:s20+$0xE4B0] =	vst v2;
	v2 =	vadd.f32 v5, v7  }
0x1a6: {  	v5 =	vld.idx.msk [tilespmem:v0+s28+$0x8040 ss:$0x1], $0xffff;
	[tilespmem:s20+$0xE4F0] =	vst v1;
	v1 =	vadd.f32 v6, v8  }
0x1a7: {  	v6 =	vld.idx.msk [tilespmem:v0+s28+$0x8080 ss:$0x1], $0xffff;
	[tilespmem:s20+$0xE530] =	vst v2;
	v2 =	vadd.f32 v4, v11  }
0x1a8: {  	v4 =	vld.idx.msk [tilespmem:v0+s28+$0x80C0 ss:$0x1], $0xffff;
	[tilespmem:s20+$0xE570] =	vst v1  }
0x1a9: {  	v1 =	vld.idx.msk [tilespmem:v0+s28+$0x8100 ss:$0x1], $0xffff;
	v7 =	vadd.f32 v12, v10;
	[tilespmem:s20+$0xE5B0] =	vst v2;
	s20 =	smov.u32 s28  }
0x1aa: {  	v2 =	vld.idx.msk [tilespmem:v0+s20+$0x8140 ss:$0x1], $0xffff  }
0x1ab: {  	v8 =	vld.idx.msk [tilespmem:v0+s20+$0x8180 ss:$0x1], $0xffff;
	[tilespmem:s20+$0xE5C0] =	vst v7  }
0x1ac: {  	v7 =	vld.idx.msk [tilespmem:v0+s20+$0x81D0 ss:$0x1], $0xffff  }
0x1ad: {  	v9 =	vld [tilespmem:s20+$0xE5D0]  }
0x1ae: {  	v10 =	vld [tilespmem:s20+$0xE400]  }
0x1af: {  	v11 =	vld [tilespmem:s20+$0xE440]  }
0x1b0: {  	v12 =	vld [tilespmem:s20+$0xE480]  }
0x1b1: {  	v13 =	vld [tilespmem:s20+$0xE4C0]  }
0x1b2: {  	v14 =	vld [tilespmem:s20+$0xE500];
	v7 =	vadd.f32 v7, v9  }
0x1b3: {  	v3 =	vadd.f32 v3, v10;
	v9 =	vld [tilespmem:s20+$0xE540]  }
0x1b4: {  	v5 =	vadd.f32 v5, v11;
	v10 =	vld [tilespmem:s20+$0xE580];
	[tilespmem:s20+$0xE5D0] =	vst v7  }
0x1b5: {  	[tilespmem:s20+$0xE400] =	vst v3;
	v3 =	vadd.f32 v6, v12;
	v6 =	vld.idx.msk [tilespmem:v0+s20+$0x81E0 ss:$0x1], $0xffff  }
0x1b6: {  	[tilespmem:s20+$0xE440] =	vst v5;
	v4 =	vadd.f32 v4, v13;
	v5 =	vld [tilespmem:s20+$0xE5E0]  }
0x1b7: {  	v7 =	vld.idx.msk [tilespmem:v0+s20+$0x8010 ss:$0x1], $0xffff;
	[tilespmem:s20+$0xE480] =	vst v3;
	v1 =	vadd.f32 v1, v14  }
0x1b8: {  	v3 =	vld.idx.msk [tilespmem:v0+s20+$0x8050 ss:$0x1], $0xffff;
	[tilespmem:s20+$0xE4C0] =	vst v4;
	v2 =	vadd.f32 v2, v9  }
0x1b9: {  	v4 =	vld.idx.msk [tilespmem:v0+s20+$0x8090 ss:$0x1], $0xffff;
	[tilespmem:s20+$0xE500] =	vst v1;
	v1 =	vadd.f32 v8, v10  }
0x1ba: {  	v8 =	vld.idx.msk [tilespmem:v0+s20+$0x80D0 ss:$0x1], $0xffff;
	[tilespmem:s20+$0xE540] =	vst v2  }
0x1bb: {  	v2 =	vld.idx.msk [tilespmem:v0+s20+$0x8110 ss:$0x1], $0xffff;
	[tilespmem:s20+$0xE580] =	vst v1;
	v1 =	vadd.f32 v6, v5  }
0x1bc: {  	v5 =	vld.idx.msk [tilespmem:v0+s20+$0x8150 ss:$0x1], $0xffff  }
0x1bd: {  	v6 =	vld.idx.msk [tilespmem:v0+s20+$0x8190 ss:$0x1], $0xffff;
	[tilespmem:s20+$0xE5E0] =	vst v1  }
0x1be: {  	v1 =	vld.idx.msk [tilespmem:v0+s20+$0x81F0 ss:$0x1], $0xffff  }
0x1bf: {  	v9 =	vld [tilespmem:s20+$0xE5F0]  }
0x1c0: {  	v10 =	vld [tilespmem:s20+$0xE410]  }
0x1c1: {  	v11 =	vld [tilespmem:s20+$0xE450]  }
0x1c2: {  	v12 =	vld [tilespmem:s20+$0xE490]  }
0x1c3: {  	v13 =	vld [tilespmem:s20+$0xE4D0]  }
0x1c4: {  	v14 =	vld [tilespmem:s20+$0xE510];
	v1 =	vadd.f32 v1, v9  }
0x1c5: {  	v7 =	vadd.f32 v7, v10;
	v9 =	vld [tilespmem:s20+$0xE550]  }
0x1c6: {  	v3 =	vadd.f32 v3, v11;
	v10 =	vld [tilespmem:s20+$0xE590];
	[tilespmem:s20+$0xE5F0] =	vst v1  }
0x1c7: {  	[tilespmem:s20+$0xE410] =	vst v7;
	v1 =	vld [tilespmem:s20+$0xE420];
	v4 =	vadd.f32 v4, v12  }
0x1c8: {  	v7 =	vld.idx.msk [tilespmem:v0+s20+$0x8020 ss:$0x1], $0xffff;
	[tilespmem:s20+$0xE450] =	vst v3;
	v3 =	vadd.f32 v8, v13  }
0x1c9: {  	v8 =	vld.idx.msk [tilespmem:v0+s20+$0x8060 ss:$0x1], $0xffff;
	[tilespmem:s20+$0xE490] =	vst v4;
	v2 =	vadd.f32 v2, v14  }
0x1ca: {  	v4 =	vld.idx.msk [tilespmem:v0+s20+$0x80A0 ss:$0x1], $0xffff;
	[tilespmem:s20+$0xE4D0] =	vst v3;
	v3 =	vadd.f32 v5, v9  }
0x1cb: {  	v5 =	vld.idx.msk [tilespmem:v0+s20+$0x80E0 ss:$0x1], $0xffff;
	[tilespmem:s20+$0xE510] =	vst v2;
	v2 =	vadd.f32 v6, v10  }
0x1cc: {  	v6 =	vld.idx.msk [tilespmem:v0+s20+$0x8120 ss:$0x1], $0xffff;
	[tilespmem:s20+$0xE550] =	vst v3  }
0x1cd: {  	v3 =	vld.idx.msk [tilespmem:v0+s20+$0x8160 ss:$0x1], $0xffff;
	[tilespmem:s20+$0xE590] =	vst v2  }
0x1ce: {  	v1 =	vadd.f32 v7, v1;
	v7 =	vld.idx.msk [tilespmem:v0+s20+$0x81A0 ss:$0x1], $0xffff  }
0x1cf: {  	v2 =	vld [tilespmem:s20+$0xE460]  }
0x1d0: {  	[tilespmem:s20+$0xE420] =	vst v1;
	v1 =	vld [tilespmem:s20+$0xE4A0]  }
0x1d1: {  	v9 =	vld [tilespmem:s20+$0xE4E0]  }
0x1d2: {  	v10 =	vld [tilespmem:s20+$0xE520]  }
0x1d3: {  	v11 =	vld [tilespmem:s20+$0xE560]  }
0x1d4: {  	v2 =	vadd.f32 v8, v2;
	v8 =	vld [tilespmem:s20+$0xE5A0]  }
0x1d5: {  	v12 =	vld.idx.msk [tilespmem:v0+s20+$0x8030 ss:$0x1], $0xffff;
	v4 =	vadd.f32 v4, v1  }
0x1d6: {  	v13 =	vld [tilespmem:s20+$0xE430];
	[tilespmem:s20+$0xE460] =	vst v2;
	v5 =	vadd.f32 v5, v9  }
0x1d7: {  	v1 =	vld.idx.msk [tilespmem:v0+s20+$0x8070 ss:$0x1], $0xffff;
	[tilespmem:s20+$0xE4A0] =	vst v4;
	v4 =	vadd.f32 v6, v10  }
0x1d8: {  	v2 =	vld.idx.msk [tilespmem:v0+s20+$0x80B0 ss:$0x1], $0xffff;
	[tilespmem:s20+$0xE4E0] =	vst v5;
	v6 =	vadd.f32 v3, v11  }
0x1d9: {  	v3 =	vld.idx.msk [tilespmem:v0+s20+$0x80F0 ss:$0x1], $0xffff;
	[tilespmem:s20+$0xE520] =	vst v4;
	v4 =	vadd.f32 v7, v8  }
0x1da: {  	v5 =	vld.idx.msk [tilespmem:v0+s20+$0x8130 ss:$0x1], $0xffff;
	[tilespmem:s20+$0xE560] =	vst v6  }
0x1db: {  	v7 =	vadd.f32 v12, v13;
	v6 =	vld.idx.msk [tilespmem:v0+s20+$0x8170 ss:$0x1], $0xffff;
	[tilespmem:s20+$0xE5A0] =	vst v4  }
0x1dc: {  	v4 =	vld.idx.msk [tilespmem:v0+s20+$0x81B0 ss:$0x1], $0xffff  }
.Ltmp4:
0x1dd: {  	[tilespmem:s20+$0xE430] =	vst v7;
	v11 =	vld [tilespmem:s20+$0xE470];
	(pc) =	sbr.rel @p0 .LBB2_7-.Ltmp4, $4  }
0x1de: {  	v10 =	vld [tilespmem:s20+$0xE4B0]  }
0x1df: {  	v9 =	vld [tilespmem:s20+$0xE4F0]  }
0x1e0: {  	v7 =	vld [tilespmem:s20+$0xE530]  }
0x1e1: {  	s23 =	sadd.s32 $0x800, s23;
	v8 =	vld [tilespmem:s20+$0xE570]  }
0x1e2: {  	v0 =	vadd.f32 v1, v11;
	v1 =	vld [tilespmem:s20+$0xE5B0]  }
0x1e3: {  	v2 =	vadd.f32 v2, v10  }
0x1e4: {  	[tilespmem:s20+$0xE470] =	vst v0;
	v0 =	vadd.f32 v3, v9  }
0x1e5: {  	[tilespmem:s20+$0xE4B0] =	vst v2;
	v2 =	vadd.f32 v5, v7  }
0x1e6: {  	[tilespmem:s20+$0xE4F0] =	vst v0;
	v0 =	vadd.f32 v6, v8  }
0x1e7: {  	s5 =	sshll.u32 s5, $0x4;
	[tilespmem:s20+$0xE530] =	vst v2;
	v1 =	vadd.f32 v4, v1  }
0x1e8: {  	s5 =	sand.u32 $0x1FFFE000, s5;
	[tilespmem:s20+$0xE570] =	vst v0  }
0x1e9: {  	s5 =	sadd.s32 s1, s5;
	[tilespmem:s20+$0xE5B0] =	vst v1  }
0x1ea: {  	[hbm4b:s5+s25] =	stream.strided.scatter [tilespmem:s26], [sflag:$0x7], $0x4000, s17, s25, $0x38;
	[tilespmem:$0x1D600] =	vst v63  }
0x1eb: {  	p0 =	seq.s32 s7, $0x18;
	_ =	swait.ge [sflag:s3], $0x4000  }
0x1ec: {  	s15 =	simm.s32 @!p0 $0x80;
	[sflag:s3] =	ssyncset.done $0x0  }
0x1ed: {  	s20 =	simm.s32 @!p0 $0x6400;
	s5 =	sadd.s32 @!p0 $0x400, s9;
	[sflag:s3] =	ssyncadd.s32 $0xFFFFC000  }
0x1ee: {  	[tilespmem:s20], [sflag:$0x1] =	stream.indirect.gather @!p0 [hbm4b:s4+s15], $0x40, s5, s15, $0xb8;
	[tilespmem:$0x1D600] =	vst v63  }
0x1ef: {  	s5 =	sadd.s32 @!p0 $0x480, s9;
	s20 =	simm.s32 @!p0 $0x8400  }
0x1f0: {  	[tilespmem:s20], [sflag:$0x1] =	stream.indirect.gather @!p0 [hbm4b:s4+s15], $0x40, s5, s15, $0xb8;
	[tilespmem:$0x1D600] =	vst v63  }
0x1f1: {  	_ =	swait.ge [sflag:s16], $0x2000  }
0x1f2: {  	v0 =	vmov s2;
	[sflag:s16] =	ssyncset.done $0x0  }
0x1f3: {  	[sflag:s16] =	ssyncadd.s32 $0xFFFFE000  }
0x1f4: {  	_ =	swait.ge [sflag:s16], $0x2000  }
0x1f5: {  	[sflag:s16] =	ssyncset.done $0x0  }
0x1f6: {  	s2 =	simm.s32 $0x0;
	[sflag:s16] =	ssyncadd.s32 $0xFFFFE000  }
0x1f7: {  	v1 =	vld.idx.msk [tilespmem:v0+s2+$0xC1C0 ss:$0x1], $0xffff  }
0x1f8: {  	v2 =	vld [tilespmem:s2+$0x125C0]  }
0x1f9: {  	v3 =	vld.idx.msk [tilespmem:v0+s2+$0xC000 ss:$0x1], $0xffff  }
0x1fa: {  	v4 =	vld.idx.msk [tilespmem:v0+s2+$0xC040 ss:$0x1], $0xffff  }
0x1fb: {  	v5 =	vld.idx.msk [tilespmem:v0+s2+$0xC080 ss:$0x1], $0xffff  }
0x1fc: {  	v6 =	vld.idx.msk [tilespmem:v0+s2+$0xC0C0 ss:$0x1], $0xffff  }
0x1fd: {  	v7 =	vld.idx.msk [tilespmem:v0+s2+$0xC100 ss:$0x1], $0xffff  }
0x1fe: {  	v8 =	vld.idx.msk [tilespmem:v0+s2+$0xC180 ss:$0x1], $0xffff  }
0x1ff: {  	v9 =	vld [tilespmem:s2+$0x125D0]  }
0x200: {  	v10 =	vld [tilespmem:s2+$0x12400]  }
0x201: {  	v11 =	vld [tilespmem:s2+$0x12440]  }
0x202: {  	v12 =	vld [tilespmem:s2+$0x12480]  }
0x203: {  	v13 =	vld [tilespmem:s2+$0x124C0]  }
0x204: {  	v14 =	vld [tilespmem:s2+$0x12500]  }
0x205: {  	v57 =	vld [tilespmem:s2+$0x12490]  }
0x206: {  	v58 =	vld [tilespmem:s2+$0x124D0]  }
0x207: {  	v59 =	vld [tilespmem:s2+$0x12510]  }
0x208: {  	v61 =	vld [tilespmem:s2+$0x124E0];
	v1 =	vadd.f32 v1, v2  }
0x209: {  	v62 =	vld [tilespmem:s2+$0x12520]  }
0x20a: {  	v3 =	vadd.f32 v3, v10;
	v10 =	vld [tilespmem:s2+$0x12580];
	[tilespmem:s2+$0x125C0] =	vst v1  }
0x20b: {  	v1 =	vld.idx.msk [tilespmem:v0+s2+$0xC1D0 ss:$0x1], $0xffff  }
0x20c: {  	v63 =	vld [tilespmem:s2+$0x12560];
	[tilespmem:s2+$0x12400] =	vst v3;
	v3 =	vadd.f32 v5, v12  }
0x20d: {  	v15 =	vld [tilespmem:s2+$0x12430]  }
0x20e: {  	v2 =	vld.idx.msk [tilespmem:v0+s2+$0xC140 ss:$0x1], $0xffff;
	[tilespmem:s2+$0x12480] =	vst v3;
	v3 =	vadd.f32 v7, v14  }
0x20f: {  	v5 =	vld [tilespmem:s2+$0x125E0]  }
0x210: {  	[tilespmem:s2+$0x12500] =	vst v3;
	v3 =	vadd.f32 v8, v10;
	v10 =	vld [tilespmem:s2+$0x125F0];
	v1 =	vadd.f32 v1, v9  }
0x211: {  	v9 =	vld [tilespmem:s2+$0x12540]  }
0x212: {  	[tilespmem:s2+$0x125D0] =	vst v1;
	v1 =	vadd.f32 v4, v11;
	v11 =	vld [tilespmem:s2+$0x12450]  }
0x213: {  	v4 =	vld.idx.msk [tilespmem:v0+s2+$0xC1E0 ss:$0x1], $0xffff  }
0x214: {  	[tilespmem:s2+$0x12440] =	vst v1;
	v1 =	vadd.f32 v6, v13;
	v6 =	vld.idx.msk [tilespmem:v0+s2+$0xC010 ss:$0x1], $0xffff  }
0x215: {  	v7 =	vld.idx.msk [tilespmem:v0+s2+$0xC050 ss:$0x1], $0xffff  }
0x216: {  	[tilespmem:s2+$0x124C0] =	vst v1;
	v1 =	vadd.f32 v2, v9;
	v2 =	vld.idx.msk [tilespmem:v0+s2+$0xC090 ss:$0x1], $0xffff  }
0x217: {  	[tilespmem:s2+$0x12580] =	vst v3;
	v8 =	vld.idx.msk [tilespmem:v0+s2+$0xC0D0 ss:$0x1], $0xffff  }
0x218: {  	[tilespmem:s2+$0x12540] =	vst v1;
	v1 =	vld.idx.msk [tilespmem:v0+s2+$0xC110 ss:$0x1], $0xffff  }
0x219: {  	v4 =	vadd.f32 v4, v5;
	v5 =	vld.idx.msk [tilespmem:v0+s2+$0xC190 ss:$0x1], $0xffff  }
0x21a: {  	v3 =	vld.idx.msk [tilespmem:v0+s2+$0xC150 ss:$0x1], $0xffff  }
0x21b: {  	[tilespmem:s2+$0x125E0] =	vst v4;
	v4 =	vld [tilespmem:s2+$0x12410];
	v7 =	vadd.f32 v7, v11  }
0x21c: {  	v11 =	vld [tilespmem:s2+$0x12590];
	v2 =	vadd.f32 v2, v57  }
0x21d: {  	v9 =	vld.idx.msk [tilespmem:v0+s2+$0xC1F0 ss:$0x1], $0xffff;
	[tilespmem:s2+$0x12450] =	vst v7  }
0x21e: {  	v7 =	vadd.f32 v8, v58;
	v8 =	vld.idx.msk [tilespmem:v0+s2+$0xC060 ss:$0x1], $0xffff;
	[tilespmem:s2+$0x12490] =	vst v2  }
0x21f: {  	v1 =	vadd.f32 v1, v59;
	v2 =	vld.idx.msk [tilespmem:v0+s2+$0xC0A0 ss:$0x1], $0xffff  }
0x220: {  	v4 =	vadd.f32 v6, v4;
	v6 =	vld [tilespmem:s2+$0x12550]  }
0x221: {  	[tilespmem:s2+$0x12510] =	vst v1;
	v1 =	vadd.f32 v5, v11;
	v11 =	vld [tilespmem:s2+$0x124A0]  }
0x222: {  	v5 =	vld.idx.msk [tilespmem:v0+s2+$0xC120 ss:$0x1], $0xffff  }
0x223: {  	[tilespmem:s2+$0x12410] =	vst v4;
	v4 =	vld [tilespmem:s2+$0x12420]  }
0x224: {  	v60 =	vld.idx.msk [tilespmem:v0+s2+$0xC020 ss:$0x1], $0xffff  }
0x225: {  	[tilespmem:s2+$0x12590] =	vst v1;
	v1 =	vld [tilespmem:s2+$0x12460]  }
0x226: {  	[tilespmem:s2+$0x124D0] =	vst v7;
	v7 =	vld.idx.msk [tilespmem:v0+s2+$0xC1A0 ss:$0x1], $0xffff;
	v3 =	vadd.f32 v3, v6  }
0x227: {  	v6 =	vld.idx.msk [tilespmem:v0+s2+$0xC0E0 ss:$0x1], $0xffff;
	v2 =	vadd.f32 v2, v11  }
0x228: {  	v11 =	vld [tilespmem:s2+$0x12470];
	v5 =	vadd.f32 v5, v62;
	[tilespmem:s2+$0x12550] =	vst v3  }
0x229: {  	[tilespmem:s2+$0x124A0] =	vst v2;
	v3 =	vld.idx.msk [tilespmem:v0+s2+$0xC160 ss:$0x1], $0xffff;
	v4 =	vadd.f32 v60, v4  }
0x22a: {  	v1 =	vadd.f32 v8, v1;
	v2 =	vld.idx.msk [tilespmem:v0+s2+$0xC0B0 ss:$0x1], $0xffff;
	[tilespmem:s2+$0x12520] =	vst v5  }
0x22b: {  	[tilespmem:s2+$0x12420] =	vst v4;
	v4 =	vld [tilespmem:s2+$0x125A0]  }
0x22c: {  	[tilespmem:s2+$0x12460] =	vst v1;
	v5 =	vld.idx.msk [tilespmem:v0+s2+$0xC130 ss:$0x1], $0xffff;
	v6 =	vadd.f32 v6, v61  }
0x22d: {  	v1 =	vld.idx.msk [tilespmem:v0+s2+$0xC070 ss:$0x1], $0xffff  }
0x22e: {  	v8 =	vld.idx.msk [tilespmem:v0+s2+$0xC030 ss:$0x1], $0xffff;
	[tilespmem:s2+$0x124E0] =	vst v6  }
0x22f: {  	v6 =	vadd.f32 v3, v63;
	v3 =	vld.idx.msk [tilespmem:v0+s2+$0xC0F0 ss:$0x1], $0xffff  }
0x230: {  	v4 =	vadd.f32 v7, v4;
	v7 =	vadd.f32 v9, v10;
	v10 =	vld [tilespmem:s2+$0x124B0]  }
0x231: {  	[tilespmem:s2+$0x12560] =	vst v6;
	v9 =	vld [tilespmem:s2+$0x124F0]  }
0x232: {  	v6 =	vld.idx.msk [tilespmem:v0+s2+$0xC170 ss:$0x1], $0xffff;
	[tilespmem:s2+$0x125A0] =	vst v4  }
0x233: {  	v8 =	vadd.f32 v8, v15;
	[tilespmem:s2+$0x125F0] =	vst v7;
	v7 =	vld [tilespmem:s2+$0x12530]  }
0x234: {  	v4 =	vld.idx.msk [tilespmem:v0+s2+$0xC1B0 ss:$0x1], $0xffff  }
0x235: {  	s5 =	sadd.s32 s6, s22;
	s15 =	simm.s32 $0x0;
	s20 =	simm.s32 $0x800;
	[tilespmem:s2+$0x12430] =	vst v8;
	v8 =	vld [tilespmem:s2+$0x12570]  }
.LBB2_9:
0x236: {  	s22 =	sshra.s32 s20, $0x2;
	s15 =	sadd.s32 $0x8, s15;
	v1 =	vadd.f32 v1, v11;
	v11 =	vld [tilespmem:s2+$0x125B0]  }
0x237: {  	v12 =	vld.idx.msk [tilespmem:v0+s22+$0xC1C0 ss:$0x1], $0xffff;
	p1 =	slt.u32 s15, $0xF8;
	v2 =	vadd.f32 v2, v10  }
0x238: {  	v10 =	vld [tilespmem:s22+$0x125C0];
	[tilespmem:s2+$0x12470] =	vst v1;
	v1 =	vadd.f32 v3, v9  }
0x239: {  	v3 =	vld.idx.msk [tilespmem:v0+s22+$0xC000 ss:$0x1], $0xffff;
	[tilespmem:s2+$0x124B0] =	vst v2;
	v2 =	vadd.f32 v5, v7  }
0x23a: {  	v5 =	vld.idx.msk [tilespmem:v0+s22+$0xC040 ss:$0x1], $0xffff;
	[tilespmem:s2+$0x124F0] =	vst v1;
	v1 =	vadd.f32 v6, v8  }
0x23b: {  	v6 =	vld.idx.msk [tilespmem:v0+s22+$0xC080 ss:$0x1], $0xffff;
	[tilespmem:s2+$0x12530] =	vst v2;
	v2 =	vadd.f32 v4, v11  }
0x23c: {  	v4 =	vld.idx.msk [tilespmem:v0+s22+$0xC0C0 ss:$0x1], $0xffff;
	[tilespmem:s2+$0x12570] =	vst v1  }
0x23d: {  	v1 =	vld.idx.msk [tilespmem:v0+s22+$0xC100 ss:$0x1], $0xffff;
	v7 =	vadd.f32 v12, v10;
	[tilespmem:s2+$0x125B0] =	vst v2;
	s2 =	smov.u32 s22  }
0x23e: {  	v2 =	vld.idx.msk [tilespmem:v0+s2+$0xC140 ss:$0x1], $0xffff  }
0x23f: {  	v8 =	vld.idx.msk [tilespmem:v0+s2+$0xC180 ss:$0x1], $0xffff;
	[tilespmem:s2+$0x125C0] =	vst v7  }
0x240: {  	v7 =	vld.idx.msk [tilespmem:v0+s2+$0xC1D0 ss:$0x1], $0xffff  }
0x241: {  	v9 =	vld [tilespmem:s2+$0x125D0]  }
0x242: {  	v10 =	vld [tilespmem:s2+$0x12400]  }
0x243: {  	v11 =	vld [tilespmem:s2+$0x12440]  }
0x244: {  	v12 =	vld [tilespmem:s2+$0x12480]  }
0x245: {  	v13 =	vld [tilespmem:s2+$0x124C0]  }
0x246: {  	v14 =	vld [tilespmem:s2+$0x12500];
	v7 =	vadd.f32 v7, v9  }
0x247: {  	v3 =	vadd.f32 v3, v10;
	v9 =	vld [tilespmem:s2+$0x12540]  }
0x248: {  	v5 =	vadd.f32 v5, v11;
	v10 =	vld [tilespmem:s2+$0x12580];
	[tilespmem:s2+$0x125D0] =	vst v7  }
0x249: {  	[tilespmem:s2+$0x12400] =	vst v3;
	v3 =	vadd.f32 v6, v12;
	v6 =	vld.idx.msk [tilespmem:v0+s2+$0xC1E0 ss:$0x1], $0xffff  }
0x24a: {  	[tilespmem:s2+$0x12440] =	vst v5;
	v4 =	vadd.f32 v4, v13;
	v5 =	vld [tilespmem:s2+$0x125E0]  }
0x24b: {  	v7 =	vld.idx.msk [tilespmem:v0+s2+$0xC010 ss:$0x1], $0xffff;
	[tilespmem:s2+$0x12480] =	vst v3;
	v1 =	vadd.f32 v1, v14  }
0x24c: {  	v3 =	vld.idx.msk [tilespmem:v0+s2+$0xC050 ss:$0x1], $0xffff;
	[tilespmem:s2+$0x124C0] =	vst v4;
	v2 =	vadd.f32 v2, v9  }
0x24d: {  	v4 =	vld.idx.msk [tilespmem:v0+s2+$0xC090 ss:$0x1], $0xffff;
	[tilespmem:s2+$0x12500] =	vst v1;
	v1 =	vadd.f32 v8, v10  }
0x24e: {  	v8 =	vld.idx.msk [tilespmem:v0+s2+$0xC0D0 ss:$0x1], $0xffff;
	[tilespmem:s2+$0x12540] =	vst v2  }
0x24f: {  	v2 =	vld.idx.msk [tilespmem:v0+s2+$0xC110 ss:$0x1], $0xffff;
	[tilespmem:s2+$0x12580] =	vst v1;
	v1 =	vadd.f32 v6, v5  }
0x250: {  	v5 =	vld.idx.msk [tilespmem:v0+s2+$0xC150 ss:$0x1], $0xffff  }
0x251: {  	v6 =	vld.idx.msk [tilespmem:v0+s2+$0xC190 ss:$0x1], $0xffff;
	[tilespmem:s2+$0x125E0] =	vst v1  }
0x252: {  	v1 =	vld.idx.msk [tilespmem:v0+s2+$0xC1F0 ss:$0x1], $0xffff  }
0x253: {  	v9 =	vld [tilespmem:s2+$0x125F0]  }
0x254: {  	v10 =	vld [tilespmem:s2+$0x12410]  }
0x255: {  	v11 =	vld [tilespmem:s2+$0x12450]  }
0x256: {  	v12 =	vld [tilespmem:s2+$0x12490]  }
0x257: {  	v13 =	vld [tilespmem:s2+$0x124D0]  }
0x258: {  	v14 =	vld [tilespmem:s2+$0x12510];
	v1 =	vadd.f32 v1, v9  }
0x259: {  	v7 =	vadd.f32 v7, v10;
	v9 =	vld [tilespmem:s2+$0x12550]  }
0x25a: {  	v3 =	vadd.f32 v3, v11;
	v10 =	vld [tilespmem:s2+$0x12590];
	[tilespmem:s2+$0x125F0] =	vst v1  }
0x25b: {  	[tilespmem:s2+$0x12410] =	vst v7;
	v1 =	vld [tilespmem:s2+$0x12420];
	v4 =	vadd.f32 v4, v12  }
0x25c: {  	v7 =	vld.idx.msk [tilespmem:v0+s2+$0xC020 ss:$0x1], $0xffff;
	[tilespmem:s2+$0x12450] =	vst v3;
	v3 =	vadd.f32 v8, v13  }
0x25d: {  	v8 =	vld.idx.msk [tilespmem:v0+s2+$0xC060 ss:$0x1], $0xffff;
	[tilespmem:s2+$0x12490] =	vst v4;
	v2 =	vadd.f32 v2, v14  }
0x25e: {  	v4 =	vld.idx.msk [tilespmem:v0+s2+$0xC0A0 ss:$0x1], $0xffff;
	[tilespmem:s2+$0x124D0] =	vst v3;
	v3 =	vadd.f32 v5, v9  }
0x25f: {  	v5 =	vld.idx.msk [tilespmem:v0+s2+$0xC0E0 ss:$0x1], $0xffff;
	[tilespmem:s2+$0x12510] =	vst v2;
	v2 =	vadd.f32 v6, v10  }
0x260: {  	v6 =	vld.idx.msk [tilespmem:v0+s2+$0xC120 ss:$0x1], $0xffff;
	[tilespmem:s2+$0x12550] =	vst v3  }
0x261: {  	v3 =	vld.idx.msk [tilespmem:v0+s2+$0xC160 ss:$0x1], $0xffff;
	[tilespmem:s2+$0x12590] =	vst v2  }
0x262: {  	v1 =	vadd.f32 v7, v1;
	v7 =	vld.idx.msk [tilespmem:v0+s2+$0xC1A0 ss:$0x1], $0xffff  }
0x263: {  	v2 =	vld [tilespmem:s2+$0x12460]  }
0x264: {  	[tilespmem:s2+$0x12420] =	vst v1;
	v1 =	vld [tilespmem:s2+$0x124A0]  }
0x265: {  	v9 =	vld [tilespmem:s2+$0x124E0]  }
0x266: {  	v10 =	vld [tilespmem:s2+$0x12520]  }
0x267: {  	v11 =	vld [tilespmem:s2+$0x12560]  }
0x268: {  	v2 =	vadd.f32 v8, v2;
	v8 =	vld [tilespmem:s2+$0x125A0]  }
0x269: {  	v12 =	vld.idx.msk [tilespmem:v0+s2+$0xC030 ss:$0x1], $0xffff;
	v4 =	vadd.f32 v4, v1  }
0x26a: {  	v13 =	vld [tilespmem:s2+$0x12430];
	[tilespmem:s2+$0x12460] =	vst v2;
	v5 =	vadd.f32 v5, v9  }
0x26b: {  	v1 =	vld.idx.msk [tilespmem:v0+s2+$0xC070 ss:$0x1], $0xffff;
	[tilespmem:s2+$0x124A0] =	vst v4;
	v4 =	vadd.f32 v6, v10  }
0x26c: {  	v2 =	vld.idx.msk [tilespmem:v0+s2+$0xC0B0 ss:$0x1], $0xffff;
	[tilespmem:s2+$0x124E0] =	vst v5;
	v6 =	vadd.f32 v3, v11  }
0x26d: {  	v3 =	vld.idx.msk [tilespmem:v0+s2+$0xC0F0 ss:$0x1], $0xffff;
	[tilespmem:s2+$0x12520] =	vst v4;
	v4 =	vadd.f32 v7, v8  }
0x26e: {  	v5 =	vld.idx.msk [tilespmem:v0+s2+$0xC130 ss:$0x1], $0xffff;
	[tilespmem:s2+$0x12560] =	vst v6  }
0x26f: {  	v7 =	vadd.f32 v12, v13;
	v6 =	vld.idx.msk [tilespmem:v0+s2+$0xC170 ss:$0x1], $0xffff;
	[tilespmem:s2+$0x125A0] =	vst v4  }
0x270: {  	v4 =	vld.idx.msk [tilespmem:v0+s2+$0xC1B0 ss:$0x1], $0xffff  }
.Ltmp5:
0x271: {  	[tilespmem:s2+$0x12430] =	vst v7;
	v11 =	vld [tilespmem:s2+$0x12470];
	(pc) =	sbr.rel @p1 .LBB2_9-.Ltmp5, $4  }
0x272: {  	v10 =	vld [tilespmem:s2+$0x124B0]  }
0x273: {  	v9 =	vld [tilespmem:s2+$0x124F0]  }
0x274: {  	v7 =	vld [tilespmem:s2+$0x12530]  }
0x275: {  	s20 =	sadd.s32 $0x800, s20;
	v8 =	vld [tilespmem:s2+$0x12570]  }
0x276: {  	v0 =	vadd.f32 v1, v11;
	v60 =	vld [tilespmem:s2+$0x125B0]  }
0x277: {  	v2 =	vadd.f32 v2, v10  }
0x278: {  	[tilespmem:s2+$0x12470] =	vst v0;
	v61 =	vadd.f32 v3, v9  }
0x279: {  	[tilespmem:s2+$0x124B0] =	vst v2;
	v62 =	vadd.f32 v5, v7  }
0x27a: {  	[tilespmem:s2+$0x124F0] =	vst v61;
	v63 =	vadd.f32 v6, v8  }
0x27b: {  	s5 =	sshll.u32 s5, $0x4;
	[tilespmem:s2+$0x12530] =	vst v62;
	v1 =	vadd.f32 v4, v60  }
0x27c: {  	s5 =	sand.u32 $0x1FFFF000, s5;
	[tilespmem:s2+$0x12570] =	vst v63  }
.Ltmp6:
0x27d: {  	s31 =	sadd.s32 s1, s5;
	[tilespmem:s2+$0x125B0] =	vst v1;
	(pc) =	sbr.rel @p0 .LBB2_12-.Ltmp6, $4  }
0x27e: {  	[hbm4b:s31+s25] =	stream.strided.scatter [tilespmem:s30], [sflag:$0x8], $0x4000, s17, s25, $0x38;
	[tilespmem:$0x1D600] =	vst v63  }
0x27f: {  	_ =	swait.ge [sflag:s19], $0x4000  }
0x280: {  	[sflag:s19] =	ssyncset.done $0x0  }
0x281: {  	[sflag:s19] =	ssyncadd.s32 $0xFFFFC000  }
0x282: {  	s2 =	sadd.s32 $0x500, s9;
	s31 =	sadd.s32 $0x580, s9  }
.Ltmp7:
0x283: {  	s5 =	simm.s32 $0xC400;
	s7 =	sadd.s32 $0x1, s7;
	(pc) =	sbr.rel .LBB2_2-.Ltmp7, $4  }
0x284: {  	s8 =	sadd.s32 $0x10000, s8;
	s10 =	sadd.s32 $0x400, s10;
	s11 =	sadd.s32 $0x10000, s11  }
0x285: {  	[tilespmem:s21], [sflag:$0x2] =	stream.indirect.gather [hbm4b:s4+s17], $0x40, s2, s17, $0xb8;
	[tilespmem:$0x1D600] =	vst v63  }
0x286: {  	s12 =	sadd.s32 $0x400, s12;
	s13 =	sadd.s32 $0x400, s13;
	s14 =	sadd.s32 $0x400, s14  }
0x287: {  	[tilespmem:s5], [sflag:$0x2] =	stream.indirect.gather [hbm4b:s4+s17], $0x40, s31, s17, $0xb8;
	[tilespmem:$0x1D600] =	vst v63  }
.LBB2_13:
0x288: {  	_ =	sfence.sel $0x180000  }
0x289: {  	[bflag:$0x0] =	sbarrier.arrive $0xFFFF  }
0x28a: {  	_ =	strace $0x90000047  }
0x28b: {  	s0 =	stileid.u32;
	[bflag:$0x2] =	sbarrier.arrive $0xFFFF  }
0x28c: {  	p0 =	sne.s32 s0, $0x0;
	s0 =	rddreg [dreg:$0x3]  }
0x28d: {  	s0 =	sadd.s32 @!p0 $0x100000, s0  }
0x28e: {  	[sflag:s0] =	ssyncadd.tile.s32 @!p0 $0x1;
	_ =	shalt  }
.Lfunc_end2:
_tile_overlayer_lowered:
.L_overlay_start_2:
0x28f: {  	(tag) =	ssettag $0x2  }
0x290: {  	s0 =	rddreg [dreg:$0x0];
	s2 =	stileid.u32  }
0x291: {  	s1 =	rddreg [dreg:$0x1];
	p0 =	sne.s32 s2, $0x0  }
0x292: {  	s3 =	rddreg [dreg:$0x2];
	[bflag:$0x3] =	sbarrier.arrive $0xFFFF;
	s2 =	simm.s32 @!p0 $0x1C09  }
0x293: {  	[timem:s3], [sflag:s2] =	dma.local @!p0 [hbm:s0], s1  }
0x294: {  	s0 =	simm.s32 @!p0 $0x9  }
0x295: {  	_ =	swait.ge @!p0 [sflag:s0], s1  }
0x296: {  	s1 =	ssub.s32 @!p0 $0x0, s1;
	[sflag:s0] =	ssyncset.done @!p0 $0x0  }
0x297: {  	[sflag:s0] =	ssyncadd.s32 @!p0 s1  }
0x298: {  	[bflag:$0x3] =	sbarrier.arrive $0xFFFF  }
0x299: {  	_ =	shalt  }

</sc_bundles>
